<compile_context>
chip_gen: v7x
topology: tpu7x:2x2x1
jax: 0.10.2.dev20260603
libtpu: 0.0.44.dev20260713+nightly
codegen_flags: <defaults>
</compile_context>

<pallas_src>
import functools

import jax
import jax.numpy as jnp
from jax.experimental import pallas as pl
from jax.experimental.pallas import tpu as pltpu
from jax.experimental.pallas import tpu_sc as plsc


def _elu(x):
    return jnp.where(x > 0, x, jnp.exp(jnp.minimum(x, 0.0)) - 1.0)


def _gat_block(feats, asn, neg_mask, H, C):
    N = feats.shape[0]
    acc = jnp.zeros((N, C), jnp.float32)
    inv_h = 1.0 / H
    feats_b = feats.astype(jnp.bfloat16)
    esen = jnp.dot(feats, asn, preferred_element_type=jnp.float32)
    enT = jnp.transpose(esen[:, H:])
    for h in range(H):
        t = esen[:, h:h + 1] + enT[h:h + 1, :]
        p = jnp.exp2(jnp.maximum(t, 0.2 * t) + neg_mask)
        pb = p.astype(jnp.bfloat16)
        s = jnp.sum(p, axis=1, keepdims=True)
        acc = acc + jnp.dot(pb, feats_b[:, h * C:(h + 1) * C],
                            preferred_element_type=jnp.float32) * (inv_h / s)
    return acc


def _tc_body(scale_ref, xu_ref, a_ref, down_ref, orig_ref,
             wup_ref, asn_up_ref, wend_ref, asn_end_ref, out_ref):
    F = xu_ref.shape[2]
    Nn = a_ref.shape[1]
    H = asn_up_ref.shape[1] // 2
    C = wup_ref.shape[1] // H

    a = a_ref[0]
    ri = jax.lax.broadcasted_iota(jnp.int32, (Nn, Nn), 0)
    ci = jax.lax.broadcasted_iota(jnp.int32, (Nn, Nn), 1)
    edge = jnp.logical_or(a > 0.5, ri == ci)
    neg_mask = jnp.where(edge, 0.0, -1e9).astype(jnp.float32)

    feats1 = jnp.dot(xu_ref[0], wup_ref[...],
                     preferred_element_type=jnp.float32)
    x1 = _elu(_gat_block(feats1, asn_up_ref[...], neg_mask, H, C))
    x1 = x1 + down_ref[0]

    feats2 = (jnp.dot(x1, wend_ref[:F, :], preferred_element_type=jnp.float32)
              + jnp.dot(orig_ref[0], wend_ref[F:, :],
                        preferred_element_type=jnp.float32))
    out_ref[0] = _elu(_gat_block(feats2, asn_end_ref[...], neg_mask,
                                 H, C)) * scale_ref[0]


def _sc_unpool(X, idx0, Nn):
    B, No, F = X.shape
    NC, NS = 2, 16
    bpc = B // NC
    rows_w = No // NS
    zrows = bpc * Nn // NS
    mesh = plsc.VectorSubcoreMesh(core_axis_name="c", subcore_axis_name="s")

    @functools.partial(
        pl.kernel, mesh=mesh,
        out_type=jax.ShapeDtypeStruct((B * Nn, F), jnp.float32),
        scratch_types=[
            [pltpu.VMEM((rows_w, F), jnp.float32)] * bpc,
            [pltpu.VMEM((rows_w,), jnp.int32)] * bpc,
            pltpu.VMEM((zrows, F), jnp.float32),
            pltpu.VMEM_SHARED((bpc * Nn, F), jnp.float32),
            [pltpu.SemaphoreType.DMA] * (2 * bpc),
        ])
    def k(x_hbm, idx_hbm, out_hbm, rows_v, idx_v, zbuf, acc_sh, sems):
        c = jax.lax.axis_index("c")
        s = jax.lax.axis_index("s")

        cps = []
        for lb in range(bpc):
            b = c * bpc + lb
            cps.append((
                pltpu.async_copy(idx_hbm.at[b, pl.ds(s * rows_w, rows_w)],
                                 idx_v[lb], sems[2 * lb]),
                pltpu.async_copy(x_hbm.at[b, pl.ds(s * rows_w, rows_w)],
                                 rows_v[lb], sems[2 * lb + 1]),
            ))

        def zero_row(r, carry):
            for kk in range(F // 16):
                zbuf[r, pl.ds(kk * 16, 16)] = jnp.zeros((16,), jnp.float32)
            return carry

        jax.lax.fori_loop(0, zrows, zero_row, 0)
        pltpu.sync_copy(zbuf, acc_sh.at[pl.ds(s * zrows, zrows)])
        plsc.subcore_barrier()

        for lb in range(bpc):
            cp_i, cp_r = cps[lb]
            cp_i.wait()
            if lb:
                for kk in range(rows_w // 16):
                    idx_v[lb][pl.ds(kk * 16, 16)] = (
                        idx_v[lb][pl.ds(kk * 16, 16)] + lb * Nn)
            cp_r.wait()
            pltpu.sync_copy(rows_v[lb], acc_sh.at[idx_v[lb]], add=True)
        plsc.subcore_barrier()

        base = c * (bpc * Nn) + s * zrows
        pltpu.sync_copy(acc_sh.at[pl.ds(s * zrows, zrows)],
                        out_hbm.at[pl.ds(base, zrows)])

    return k(X, idx0)


def kernel(X, orig_X, l_n, idx0, A0, down0, action, W_up, a_s_up, a_n_up,
           W_end, a_s_end, a_n_end):
    B, No, F = X.shape
    Nn = A0.shape[1]
    H, C = a_s_up.shape
    wup = W_up.reshape(F, H * C)
    wend = W_end.reshape(2 * F, H * C)

    xu = _sc_unpool(X, idx0.astype(jnp.int32), Nn).reshape(B, Nn, F)

    log2e = 1.4426950408889634
    eye = jnp.eye(H, dtype=jnp.float32)
    asn_up = jnp.concatenate(
        [(a_s_up[:, :, None] * eye[:, None, :]).reshape(H * C, H),
         (a_n_up[:, :, None] * eye[:, None, :]).reshape(H * C, H)],
        axis=1) * log2e
    asn_end = jnp.concatenate(
        [(a_s_end[:, :, None] * eye[:, None, :]).reshape(H * C, H),
         (a_n_end[:, :, None] * eye[:, None, :]).reshape(H * C, H)],
        axis=1) * log2e

    scale = (jnp.asarray(l_n) / 1).astype(jnp.float32).reshape(1)

    full = lambda *shape: pl.BlockSpec(shape, lambda b: (0,) * len(shape))
    out = pl.pallas_call(
        _tc_body,
        grid=(B,),
        in_specs=[
            pl.BlockSpec(memory_space=pltpu.SMEM),
            pl.BlockSpec((1, Nn, F), lambda b: (b, 0, 0)),
            pl.BlockSpec((1, Nn, Nn), lambda b: (b, 0, 0)),
            pl.BlockSpec((1, Nn, F), lambda b: (b, 0, 0)),
            pl.BlockSpec((1, Nn, F), lambda b: (b, 0, 0)),
            full(F, H * C),
            full(H * C, 2 * H),
            full(2 * F, H * C),
            full(H * C, 2 * H),
        ],
        out_specs=pl.BlockSpec((1, Nn, F), lambda b: (b, 0, 0)),
        out_shape=jax.ShapeDtypeStruct((B, Nn, F), jnp.float32),
        compiler_params=pltpu.CompilerParams(
            dimension_semantics=("parallel",),
            vmem_limit_bytes=100 * 1024 * 1024,
        ),
    )(scale, xu, A0, down0, orig_X, wup, asn_up, wend, asn_end)
    return out

# --- scband reference (transcript-rebuilt; emitter-appended) ---
"""Pipeline reference for scband-transition-model-decoder-53309134078319 (READ-ONLY COPY).

The authoritative reference and input builder live on the scoring server;
editing this copy changes nothing except your own understanding.
"""

import jax, jax.numpy as jnp
import numpy as np


def _gat(X, A, W, a_s, a_n, concat_heads, act):
    # Dense batched GraphAttention (Spektral-style), use_bias=False, dropout=0
    feats = jnp.einsum('bnf,fhc->bnhc', X, W)
    es = jnp.einsum('bnhc,hc->bnh', feats, a_s)
    en = jnp.einsum('bnhc,hc->bnh', feats, a_n)
    logits = es[:, :, None, :] + en[:, None, :, :]  # [B, i, j, H]
    logits = jax.nn.leaky_relu(logits, 0.2)
    N = A.shape[1]
    # use_self_loops_in_all_adj=True -> add identity to adjacency
    A_sl = jnp.maximum(A, jnp.eye(N, dtype=A.dtype)[None])
    mask = jnp.where(A_sl > 0.5, 0.0, -1e9).astype(logits.dtype)
    logits = logits + mask[:, :, :, None]
    coefs = jax.nn.softmax(logits, axis=2)  # softmax over neighbors j
    out = jnp.einsum('bijh,bjhc->bihc', coefs, feats)
    B, N2, H, C = out.shape
    if concat_heads:
        out = out.reshape(B, N2, H * C)
    else:
        out = out.mean(axis=2)
    if act is not None:
        out = act(out)
    return out


def _unpool(X, A, idx):
    # GraphUnpool: scatter coarse node features into fine graph positions
    B, No, F = X.shape
    Nn = A.shape[1]
    flat_idx = (idx.astype(jnp.int32) + jnp.arange(B, dtype=jnp.int32)[:, None] * Nn).reshape(-1)
    Xf = X.reshape(B * No, F)
    newX = jnp.zeros((B * Nn, F), X.dtype).at[flat_idx].add(Xf)  # tf.scatter_nd adds duplicates
    return newX.reshape(B, Nn, F), A


def setup_inputs(seed: int = 0):
    key = jax.random.key(seed)
    ks = jax.random.split(key, 12)
    B, No, Nn, F, H, C = 4, 512, 1024, 128, 4, 128
    X = jax.random.normal(ks[0], (B, No, F), jnp.float32)
    orig_X = jax.random.normal(ks[1], (B, Nn, F), jnp.float32)
    idx0 = jax.random.randint(ks[2], (B, No), 0, Nn, jnp.int32)
    A0 = jax.random.uniform(ks[3], (B, Nn, Nn), jnp.float32)
    down0 = jax.random.normal(ks[4], (B, Nn, F), jnp.float32)
    action = jax.random.normal(ks[5], (B, 16), jnp.float32)
    # up-sample GATConvLayer (channels=128, filter_size=1, heads=4): single concat_heads=False layer
    W_up = jax.random.normal(ks[6], (F, H, C), jnp.float32) * 0.05
    a_s_up = jax.random.normal(ks[7], (H, C), jnp.float32) * 0.05
    a_n_up = jax.random.normal(ks[8], (H, C), jnp.float32) * 0.05
    # end GATConvLayer (out_dim=128, filter=1, heads=4) on concat([X, orig_X]) -> in dim 256
    W_end = jax.random.normal(ks[9], (2 * F, H, C), jnp.float32) * 0.05
    a_s_end = jax.random.normal(ks[10], (H, C), jnp.float32) * 0.05
    a_n_end = jax.random.normal(ks[11], (H, C), jnp.float32) * 0.05
    return {"X": X, "orig_X": orig_X, "l_n": 1, "idx0": idx0, "A0": A0, "down0": down0,
            "action": action, "W_up": W_up, "a_s_up": a_s_up, "a_n_up": a_n_up,
            "W_end": W_end, "a_s_end": a_s_end, "a_n_end": a_n_end}


_L_N = 1


def reference(X, orig_X, l_n, idx0, A0, down0, action, W_up, a_s_up, a_n_up, W_end, a_s_end, a_n_end):
    indices_list = [idx0]
    adj_ms = [A0]
    down_outs = [down0]
    Xc = X
    A = A0
    for i in range(_L_N):
        up_i = _L_N - i - 1
        Xc, A = _unpool(Xc, adj_ms[up_i], indices_list[up_i])
        Xc = _gat(Xc, A, W_up, a_s_up, a_n_up, False, jax.nn.elu)
        Xc = Xc + down_outs[up_i]
    Xc = jnp.concatenate([Xc, orig_X], axis=-1)
    Xc = _gat(Xc, A, W_end, a_s_end, a_n_end, False, jax.nn.elu)
    Xc = Xc * (jnp.asarray(l_n) / _L_N).astype(Xc.dtype)
    return Xc

if __name__ == "__main__":
    import jax
    _d = setup_inputs()
    print(jax.jit(kernel)(*tuple(_d.values())))

</pallas_src>

<mosaic_0001>
#map = affine_map<(d0, d1) -> (0, 0, 0)>
#map1 = affine_map<(d0, d1) -> (0, 0)>
module attributes {stable_mosaic.version = 14 : i64} {
  func.func @k(%arg0: i32, %arg1: i32, %arg2: memref<4x512x128xf32, #tpu.memory_space<hbm>>, %arg3: memref<4x512xi32, #tpu.memory_space<hbm>>, %arg4: memref<4096x128xf32, #tpu.memory_space<hbm>>, %arg5: memref<32x128xf32, #tpu.memory_space<vmem>>, %arg6: memref<32x128xf32, #tpu.memory_space<vmem>>, %arg7: memref<32xi32, #tpu.memory_space<vmem>>, %arg8: memref<32xi32, #tpu.memory_space<vmem>>, %arg9: memref<128x128xf32, #tpu.memory_space<vmem>>, %arg10: memref<2048x128xf32, #tpu.memory_space<vmem_shared>>, %arg11: memref<!tpu.dma_semaphore, #tpu.memory_space<semaphore_mem>>, %arg12: memref<!tpu.dma_semaphore, #tpu.memory_space<semaphore_mem>>, %arg13: memref<!tpu.dma_semaphore, #tpu.memory_space<semaphore_mem>>, %arg14: memref<!tpu.dma_semaphore, #tpu.memory_space<semaphore_mem>>) attributes {dimension_semantics = [#tpu.dimension_semantics<core_parallel>, #tpu.dimension_semantics<subcore_parallel>], iteration_bounds = array<i64: 2, 16>, scalar_prefetch = 0 : i64, scratch_operands = 10 : i64, tpu.core_type = #tpu.core_type<sc_vector_subcore>, window_params = [{transform_indices = #map}, {transform_indices = #map1}, {transform_indices = #map1}]} {
    %mul3A = arith.constant 2 : i32
    %mul3A_0 = arith.muli %arg0, %mul3A : i32
    %add3A = arith.constant 0 : i32
    %add3A_1 = arith.addi %mul3A_0, %add3A : i32
    %mul3A_2 = arith.constant 32 : i32
    %mul3A_3 = arith.muli %arg1, %mul3A_2 : i32
    %dma_start3A = tpu.memref_slice %arg3[%add3A_1, %mul3A_3] : memref<4x512xi32, #tpu.memory_space<hbm>> -> memref<1x32xi32, #tpu.memory_space<hbm>>
    %dma_start3A_4 = tpu.memref_squeeze %dma_start3A : memref<1x32xi32, #tpu.memory_space<hbm>> -> memref<32xi32, #tpu.memory_space<hbm>>
    %dma_start3A_5 = tpu.memref_slice %arg3[%add3A_1, %mul3A_3] : memref<4x512xi32, #tpu.memory_space<hbm>> -> memref<1x32xi32, #tpu.memory_space<hbm>>
    %dma_start3A_6 = tpu.memref_squeeze %dma_start3A_5 : memref<1x32xi32, #tpu.memory_space<hbm>> -> memref<32xi32, #tpu.memory_space<hbm>>
    tpu.enqueue_dma source(%dma_start3A_6 : memref<32xi32, #tpu.memory_space<hbm>>) target(%arg7 : memref<32xi32, #tpu.memory_space<vmem>>) target_semaphore(%arg11 : memref<!tpu.dma_semaphore, #tpu.memory_space<semaphore_mem>>)
    %mul3A_7 = arith.constant 32 : i32
    %mul3A_8 = arith.muli %arg1, %mul3A_7 : i32
    %dma_start3A_9 = arith.constant 0 : i32
    %dma_start3A_10 = tpu.memref_slice %arg2[%add3A_1, %mul3A_8, %dma_start3A_9] : memref<4x512x128xf32, #tpu.memory_space<hbm>> -> memref<1x32x128xf32, #tpu.memory_space<hbm>>
    %dma_start3A_11 = tpu.memref_squeeze %dma_start3A_10 : memref<1x32x128xf32, #tpu.memory_space<hbm>> -> memref<32x128xf32, #tpu.memory_space<hbm>>
    %dma_start3A_12 = arith.constant 0 : i32
    %dma_start3A_13 = tpu.memref_slice %arg2[%add3A_1, %mul3A_8, %dma_start3A_12] : memref<4x512x128xf32, #tpu.memory_space<hbm>> -> memref<1x32x128xf32, #tpu.memory_space<hbm>>
    %dma_start3A_14 = tpu.memref_squeeze %dma_start3A_13 : memref<1x32x128xf32, #tpu.memory_space<hbm>> -> memref<32x128xf32, #tpu.memory_space<hbm>>
    tpu.enqueue_dma source(%dma_start3A_14 : memref<32x128xf32, #tpu.memory_space<hbm>>) target(%arg5 : memref<32x128xf32, #tpu.memory_space<vmem>>) target_semaphore(%arg12 : memref<!tpu.dma_semaphore, #tpu.memory_space<semaphore_mem>>)
    %mul3A_15 = arith.constant 2 : i32
    %mul3A_16 = arith.muli %arg0, %mul3A_15 : i32
    %add3A_17 = arith.constant 1 : i32
    %add3A_18 = arith.addi %mul3A_16, %add3A_17 : i32
    %mul3A_19 = arith.constant 32 : i32
    %mul3A_20 = arith.muli %arg1, %mul3A_19 : i32
    %dma_start3A_21 = tpu.memref_slice %arg3[%add3A_18, %mul3A_20] : memref<4x512xi32, #tpu.memory_space<hbm>> -> memref<1x32xi32, #tpu.memory_space<hbm>>
    %dma_start3A_22 = tpu.memref_squeeze %dma_start3A_21 : memref<1x32xi32, #tpu.memory_space<hbm>> -> memref<32xi32, #tpu.memory_space<hbm>>
    %dma_start3A_23 = tpu.memref_slice %arg3[%add3A_18, %mul3A_20] : memref<4x512xi32, #tpu.memory_space<hbm>> -> memref<1x32xi32, #tpu.memory_space<hbm>>
    %dma_start3A_24 = tpu.memref_squeeze %dma_start3A_23 : memref<1x32xi32, #tpu.memory_space<hbm>> -> memref<32xi32, #tpu.memory_space<hbm>>
    tpu.enqueue_dma source(%dma_start3A_24 : memref<32xi32, #tpu.memory_space<hbm>>) target(%arg8 : memref<32xi32, #tpu.memory_space<vmem>>) target_semaphore(%arg13 : memref<!tpu.dma_semaphore, #tpu.memory_space<semaphore_mem>>)
    %mul3A_25 = arith.constant 32 : i32
    %mul3A_26 = arith.muli %arg1, %mul3A_25 : i32
    %dma_start3A_27 = arith.constant 0 : i32
    %dma_start3A_28 = tpu.memref_slice %arg2[%add3A_18, %mul3A_26, %dma_start3A_27] : memref<4x512x128xf32, #tpu.memory_space<hbm>> -> memref<1x32x128xf32, #tpu.memory_space<hbm>>
    %dma_start3A_29 = tpu.memref_squeeze %dma_start3A_28 : memref<1x32x128xf32, #tpu.memory_space<hbm>> -> memref<32x128xf32, #tpu.memory_space<hbm>>
    %dma_start3A_30 = arith.constant 0 : i32
    %dma_start3A_31 = tpu.memref_slice %arg2[%add3A_18, %mul3A_26, %dma_start3A_30] : memref<4x512x128xf32, #tpu.memory_space<hbm>> -> memref<1x32x128xf32, #tpu.memory_space<hbm>>
    %dma_start3A_32 = tpu.memref_squeeze %dma_start3A_31 : memref<1x32x128xf32, #tpu.memory_space<hbm>> -> memref<32x128xf32, #tpu.memory_space<hbm>>
    tpu.enqueue_dma source(%dma_start3A_32 : memref<32x128xf32, #tpu.memory_space<hbm>>) target(%arg6 : memref<32x128xf32, #tpu.memory_space<vmem>>) target_semaphore(%arg14 : memref<!tpu.dma_semaphore, #tpu.memory_space<semaphore_mem>>)
    %scan3A = arith.constant 0 : i32
    %scan3A_33 = arith.constant 0 : i32
    %scan3A_34 = arith.constant 128 : i32
    %scan3A_35 = arith.addi %scan3A_33, %scan3A_34 : i32
    %scan3A_36 = arith.constant 1 : i32
    scf.for %scan3A_85 = %scan3A_33 to %scan3A_35 step %scan3A_36  : i32 {
      %broadcast_in_dim3A = arith.constant 0.000000e+00 : f32
      %broadcast_in_dim3A_86 = vector.broadcast %broadcast_in_dim3A : f32 to vector<16xf32>
      %swap3A_87 = arith.index_cast %scan3A_85 : i32 to index
      %swap3A_88 = arith.constant 0 : index
      %swap3A_89 = tpu.vector_load %arg9[%swap3A_87, %swap3A_88] {strides = array<i32>} : memref<128x128xf32, #tpu.memory_space<vmem>>, vector<1x16xf32>,
      %swap3A_90 = vector.shape_cast %swap3A_89 : vector<1x16xf32> to vector<16xf32>
      %swap3A_91 = vector.shape_cast %broadcast_in_dim3A_86 : vector<16xf32> to vector<1x16xf32>
      tpu.vector_store %arg9[%swap3A_87, %swap3A_88], %swap3A_91 {strides = array<i32>} : memref<128x128xf32, #tpu.memory_space<vmem>>, vector<1x16xf32>,
      %broadcast_in_dim3A_92 = arith.constant 0.000000e+00 : f32
      %broadcast_in_dim3A_93 = vector.broadcast %broadcast_in_dim3A_92 : f32 to vector<16xf32>
      %swap3A_94 = arith.index_cast %scan3A_85 : i32 to index
      %swap3A_95 = arith.constant 16 : index
      %swap3A_96 = tpu.vector_load %arg9[%swap3A_94, %swap3A_95] {strides = array<i32>} : memref<128x128xf32, #tpu.memory_space<vmem>>, vector<1x16xf32>,
      %swap3A_97 = vector.shape_cast %swap3A_96 : vector<1x16xf32> to vector<16xf32>
      %swap3A_98 = vector.shape_cast %broadcast_in_dim3A_93 : vector<16xf32> to vector<1x16xf32>
      tpu.vector_store %arg9[%swap3A_94, %swap3A_95], %swap3A_98 {strides = array<i32>} : memref<128x128xf32, #tpu.memory_space<vmem>>, vector<1x16xf32>,
      %broadcast_in_dim3A_99 = arith.constant 0.000000e+00 : f32
      %broadcast_in_dim3A_100 = vector.broadcast %broadcast_in_dim3A_99 : f32 to vector<16xf32>
      %swap3A_101 = arith.index_cast %scan3A_85 : i32 to index
      %swap3A_102 = arith.constant 32 : index
      %swap3A_103 = tpu.vector_load %arg9[%swap3A_101, %swap3A_102] {strides = array<i32>} : memref<128x128xf32, #tpu.memory_space<vmem>>, vector<1x16xf32>,
      %swap3A_104 = vector.shape_cast %swap3A_103 : vector<1x16xf32> to vector<16xf32>
      %swap3A_105 = vector.shape_cast %broadcast_in_dim3A_100 : vector<16xf32> to vector<1x16xf32>
      tpu.vector_store %arg9[%swap3A_101, %swap3A_102], %swap3A_105 {strides = array<i32>} : memref<128x128xf32, #tpu.memory_space<vmem>>, vector<1x16xf32>,
      %broadcast_in_dim3A_106 = arith.constant 0.000000e+00 : f32
      %broadcast_in_dim3A_107 = vector.broadcast %broadcast_in_dim3A_106 : f32 to vector<16xf32>
      %swap3A_108 = arith.index_cast %scan3A_85 : i32 to index
      %swap3A_109 = arith.constant 48 : index
      %swap3A_110 = tpu.vector_load %arg9[%swap3A_108, %swap3A_109] {strides = array<i32>} : memref<128x128xf32, #tpu.memory_space<vmem>>, vector<1x16xf32>,
      %swap3A_111 = vector.shape_cast %swap3A_110 : vector<1x16xf32> to vector<16xf32>
      %swap3A_112 = vector.shape_cast %broadcast_in_dim3A_107 : vector<16xf32> to vector<1x16xf32>
      tpu.vector_store %arg9[%swap3A_108, %swap3A_109], %swap3A_112 {strides = array<i32>} : memref<128x128xf32, #tpu.memory_space<vmem>>, vector<1x16xf32>,
      %broadcast_in_dim3A_113 = arith.constant 0.000000e+00 : f32
      %broadcast_in_dim3A_114 = vector.broadcast %broadcast_in_dim3A_113 : f32 to vector<16xf32>
      %swap3A_115 = arith.index_cast %scan3A_85 : i32 to index
      %swap3A_116 = arith.constant 64 : index
      %swap3A_117 = tpu.vector_load %arg9[%swap3A_115, %swap3A_116] {strides = array<i32>} : memref<128x128xf32, #tpu.memory_space<vmem>>, vector<1x16xf32>,
      %swap3A_118 = vector.shape_cast %swap3A_117 : vector<1x16xf32> to vector<16xf32>
      %swap3A_119 = vector.shape_cast %broadcast_in_dim3A_114 : vector<16xf32> to vector<1x16xf32>
      tpu.vector_store %arg9[%swap3A_115, %swap3A_116], %swap3A_119 {strides = array<i32>} : memref<128x128xf32, #tpu.memory_space<vmem>>, vector<1x16xf32>,
      %broadcast_in_dim3A_120 = arith.constant 0.000000e+00 : f32
      %broadcast_in_dim3A_121 = vector.broadcast %broadcast_in_dim3A_120 : f32 to vector<16xf32>
      %swap3A_122 = arith.index_cast %scan3A_85 : i32 to index
      %swap3A_123 = arith.constant 80 : index
      %swap3A_124 = tpu.vector_load %arg9[%swap3A_122, %swap3A_123] {strides = array<i32>} : memref<128x128xf32, #tpu.memory_space<vmem>>, vector<1x16xf32>,
      %swap3A_125 = vector.shape_cast %swap3A_124 : vector<1x16xf32> to vector<16xf32>
      %swap3A_126 = vector.shape_cast %broadcast_in_dim3A_121 : vector<16xf32> to vector<1x16xf32>
      tpu.vector_store %arg9[%swap3A_122, %swap3A_123], %swap3A_126 {strides = array<i32>} : memref<128x128xf32, #tpu.memory_space<vmem>>, vector<1x16xf32>,
      %broadcast_in_dim3A_127 = arith.constant 0.000000e+00 : f32
      %broadcast_in_dim3A_128 = vector.broadcast %broadcast_in_dim3A_127 : f32 to vector<16xf32>
      %swap3A_129 = arith.index_cast %scan3A_85 : i32 to index
      %swap3A_130 = arith.constant 96 : index
      %swap3A_131 = tpu.vector_load %arg9[%swap3A_129, %swap3A_130] {strides = array<i32>} : memref<128x128xf32, #tpu.memory_space<vmem>>, vector<1x16xf32>,
      %swap3A_132 = vector.shape_cast %swap3A_131 : vector<1x16xf32> to vector<16xf32>
      %swap3A_133 = vector.shape_cast %broadcast_in_dim3A_128 : vector<16xf32> to vector<1x16xf32>
      tpu.vector_store %arg9[%swap3A_129, %swap3A_130], %swap3A_133 {strides = array<i32>} : memref<128x128xf32, #tpu.memory_space<vmem>>, vector<1x16xf32>,
      %broadcast_in_dim3A_134 = arith.constant 0.000000e+00 : f32
      %broadcast_in_dim3A_135 = vector.broadcast %broadcast_in_dim3A_134 : f32 to vector<16xf32>
      %swap3A_136 = arith.index_cast %scan3A_85 : i32 to index
      %swap3A_137 = arith.constant 112 : index
      %swap3A_138 = tpu.vector_load %arg9[%swap3A_136, %swap3A_137] {strides = array<i32>} : memref<128x128xf32, #tpu.memory_space<vmem>>, vector<1x16xf32>,
      %swap3A_139 = vector.shape_cast %swap3A_138 : vector<1x16xf32> to vector<16xf32>
      %swap3A_140 = vector.shape_cast %broadcast_in_dim3A_135 : vector<16xf32> to vector<1x16xf32>
      tpu.vector_store %arg9[%swap3A_136, %swap3A_137], %swap3A_140 {strides = array<i32>} : memref<128x128xf32, #tpu.memory_space<vmem>>, vector<1x16xf32>,
    }
    %scan3A_37 = arith.constant 128 : i32
    %mul3A_38 = arith.constant 128 : i32
    %mul3A_39 = arith.muli %arg1, %mul3A_38 : i32
    "tpu.region"() ({
      %run_scoped3A = tpu.sem_alloc : memref<!tpu.dma_semaphore, #tpu.memory_space<semaphore_mem>>
      %dma_start3A_85 = arith.constant 0 : i32
      %dma_start3A_86 = tpu.memref_slice %arg10[%mul3A_39, %dma_start3A_85] : memref<2048x128xf32, #tpu.memory_space<vmem_shared>> -> memref<128x128xf32, #tpu.memory_space<vmem_shared>>
      %dma_start3A_87 = arith.constant 0 : i32
      %dma_start3A_88 = tpu.memref_slice %arg10[%mul3A_39, %dma_start3A_87] : memref<2048x128xf32, #tpu.memory_space<vmem_shared>> -> memref<128x128xf32, #tpu.memory_space<vmem_shared>>
      tpu.enqueue_dma source(%arg9 : memref<128x128xf32, #tpu.memory_space<vmem>>) target(%dma_start3A_88 : memref<128x128xf32, #tpu.memory_space<vmem_shared>>) target_semaphore(%run_scoped3A : memref<!tpu.dma_semaphore, #tpu.memory_space<semaphore_mem>>)
      %dma_wait3A_89 = arith.constant 0 : i32
      %dma_wait3A_90 = tpu.memref_slice %arg10[%mul3A_39, %dma_wait3A_89] : memref<2048x128xf32, #tpu.memory_space<vmem_shared>> -> memref<128x128xf32, #tpu.memory_space<vmem_shared>>
      %dma_wait3A_91 = arith.constant 0 : i32
      %dma_wait3A_92 = tpu.memref_slice %arg10[%mul3A_39, %dma_wait3A_91] : memref<2048x128xf32, #tpu.memory_space<vmem_shared>> -> memref<128x128xf32, #tpu.memory_space<vmem_shared>>
      tpu.wait_dma2 semaphore(%run_scoped3A : memref<!tpu.dma_semaphore, #tpu.memory_space<semaphore_mem>>) src(%arg9 : memref<128x128xf32, #tpu.memory_space<vmem>>) dst(%dma_wait3A_92 : memref<128x128xf32, #tpu.memory_space<vmem_shared>>)
      tpu.yield
    }) : () -> ()
    %barrier3A = arith.constant 0 : index
    tpu.barrier barrier_id(%barrier3A)
    %dma_wait3A = tpu.memref_slice %arg3[%add3A_1, %mul3A_3] : memref<4x512xi32, #tpu.memory_space<hbm>> -> memref<1x32xi32, #tpu.memory_space<hbm>>
    %dma_wait3A_40 = tpu.memref_squeeze %dma_wait3A : memref<1x32xi32, #tpu.memory_space<hbm>> -> memref<32xi32, #tpu.memory_space<hbm>>
    %dma_wait3A_41 = tpu.memref_slice %arg3[%add3A_1, %mul3A_3] : memref<4x512xi32, #tpu.memory_space<hbm>> -> memref<1x32xi32, #tpu.memory_space<hbm>>
    %dma_wait3A_42 = tpu.memref_squeeze %dma_wait3A_41 : memref<1x32xi32, #tpu.memory_space<hbm>> -> memref<32xi32, #tpu.memory_space<hbm>>
    tpu.wait_dma2 semaphore(%arg11 : memref<!tpu.dma_semaphore, #tpu.memory_space<semaphore_mem>>) src(%dma_wait3A_42 : memref<32xi32, #tpu.memory_space<hbm>>) dst(%arg7 : memref<32xi32, #tpu.memory_space<vmem>>)
    %dma_wait3A_43 = arith.constant 0 : i32
    %dma_wait3A_44 = tpu.memref_slice %arg2[%add3A_1, %mul3A_8, %dma_wait3A_43] : memref<4x512x128xf32, #tpu.memory_space<hbm>> -> memref<1x32x128xf32, #tpu.memory_space<hbm>>
    %dma_wait3A_45 = tpu.memref_squeeze %dma_wait3A_44 : memref<1x32x128xf32, #tpu.memory_space<hbm>> -> memref<32x128xf32, #tpu.memory_space<hbm>>
    %dma_wait3A_46 = arith.constant 0 : i32
    %dma_wait3A_47 = tpu.memref_slice %arg2[%add3A_1, %mul3A_8, %dma_wait3A_46] : memref<4x512x128xf32, #tpu.memory_space<hbm>> -> memref<1x32x128xf32, #tpu.memory_space<hbm>>
    %dma_wait3A_48 = tpu.memref_squeeze %dma_wait3A_47 : memref<1x32x128xf32, #tpu.memory_space<hbm>> -> memref<32x128xf32, #tpu.memory_space<hbm>>
    tpu.wait_dma2 semaphore(%arg12 : memref<!tpu.dma_semaphore, #tpu.memory_space<semaphore_mem>>) src(%dma_wait3A_48 : memref<32x128xf32, #tpu.memory_space<hbm>>) dst(%arg5 : memref<32x128xf32, #tpu.memory_space<vmem>>)
    "tpu.region"() ({
      %run_scoped3A = tpu.sem_alloc : memref<!tpu.dma_semaphore, #tpu.memory_space<semaphore_mem>>
      %dma_start3A_85 = arith.constant 0 : i32
      %dma_start3A_86 = arith.constant 0 : i32
      %dma_start3A_87 = tpu.memref_slice %arg10[%dma_start3A_85, %dma_start3A_86] : memref<2048x128xf32, #tpu.memory_space<vmem_shared>> -> memref<2048x128xf32, #tpu.memory_space<vmem_shared>>
      tpu.enqueue_indirect_dma source(%arg5 : memref<32x128xf32, #tpu.memory_space<vmem>>) target(%dma_start3A_87 : memref<2048x128xf32, #tpu.memory_space<vmem_shared>>) offsets(%arg7 : memref<32xi32, #tpu.memory_space<vmem>>) semaphore(%run_scoped3A : memref<!tpu.dma_semaphore, #tpu.memory_space<semaphore_mem>>) {add = true}
      %dma_wait3A_88 = arith.constant 0 : i32
      %dma_wait3A_89 = arith.constant 0 : i32
      %dma_wait3A_90 = tpu.memref_slice %arg10[%dma_wait3A_88, %dma_wait3A_89] : memref<2048x128xf32, #tpu.memory_space<vmem_shared>> -> memref<2048x128xf32, #tpu.memory_space<vmem_shared>>
      tpu.wait_indirect_dma semaphore(%run_scoped3A : memref<!tpu.dma_semaphore, #tpu.memory_space<semaphore_mem>>) src(%arg5 : memref<32x128xf32, #tpu.memory_space<vmem>>) dst(%dma_wait3A_90 : memref<2048x128xf32, #tpu.memory_space<vmem_shared>>)
      tpu.yield
    }) : () -> ()
    %dma_wait3A_49 = tpu.memref_slice %arg3[%add3A_18, %mul3A_20] : memref<4x512xi32, #tpu.memory_space<hbm>> -> memref<1x32xi32, #tpu.memory_space<hbm>>
    %dma_wait3A_50 = tpu.memref_squeeze %dma_wait3A_49 : memref<1x32xi32, #tpu.memory_space<hbm>> -> memref<32xi32, #tpu.memory_space<hbm>>
    %dma_wait3A_51 = tpu.memref_slice %arg3[%add3A_18, %mul3A_20] : memref<4x512xi32, #tpu.memory_space<hbm>> -> memref<1x32xi32, #tpu.memory_space<hbm>>
    %dma_wait3A_52 = tpu.memref_squeeze %dma_wait3A_51 : memref<1x32xi32, #tpu.memory_space<hbm>> -> memref<32xi32, #tpu.memory_space<hbm>>
    tpu.wait_dma2 semaphore(%arg13 : memref<!tpu.dma_semaphore, #tpu.memory_space<semaphore_mem>>) src(%dma_wait3A_52 : memref<32xi32, #tpu.memory_space<hbm>>) dst(%arg8 : memref<32xi32, #tpu.memory_space<vmem>>)
    %get3A = arith.constant 0 : index
    %get3A_53 = tpu.vector_load %arg8[%get3A] {strides = array<i32>} : memref<32xi32, #tpu.memory_space<vmem>>, vector<16xi32>,
    %get3A_54 = vector.shape_cast %get3A_53 : vector<16xi32> to vector<16xi32>
    %add3A_55 = arith.constant 1024 : i32
    %add3A_56 = vector.broadcast %add3A_55 : i32 to vector<16xi32>
    %add3A_57 = arith.addi %get3A_54, %add3A_56 : vector<16xi32>
    %swap3A = arith.constant 0 : index
    %swap3A_58 = tpu.vector_load %arg8[%swap3A] {strides = array<i32>} : memref<32xi32, #tpu.memory_space<vmem>>, vector<16xi32>,
    %swap3A_59 = vector.shape_cast %swap3A_58 : vector<16xi32> to vector<16xi32>
    %swap3A_60 = vector.shape_cast %add3A_57 : vector<16xi32> to vector<16xi32>
    tpu.vector_store %arg8[%swap3A], %swap3A_60 {strides = array<i32>} : memref<32xi32, #tpu.memory_space<vmem>>, vector<16xi32>,
    %get3A_61 = arith.constant 16 : index
    %get3A_62 = tpu.vector_load %arg8[%get3A_61] {strides = array<i32>} : memref<32xi32, #tpu.memory_space<vmem>>, vector<16xi32>,
    %get3A_63 = vector.shape_cast %get3A_62 : vector<16xi32> to vector<16xi32>
    %add3A_64 = arith.constant 1024 : i32
    %add3A_65 = vector.broadcast %add3A_64 : i32 to vector<16xi32>
    %add3A_66 = arith.addi %get3A_63, %add3A_65 : vector<16xi32>
    %swap3A_67 = arith.constant 16 : index
    %swap3A_68 = tpu.vector_load %arg8[%swap3A_67] {strides = array<i32>} : memref<32xi32, #tpu.memory_space<vmem>>, vector<16xi32>,
    %swap3A_69 = vector.shape_cast %swap3A_68 : vector<16xi32> to vector<16xi32>
    %swap3A_70 = vector.shape_cast %add3A_66 : vector<16xi32> to vector<16xi32>
    tpu.vector_store %arg8[%swap3A_67], %swap3A_70 {strides = array<i32>} : memref<32xi32, #tpu.memory_space<vmem>>, vector<16xi32>,
    %dma_wait3A_71 = arith.constant 0 : i32
    %dma_wait3A_72 = tpu.memref_slice %arg2[%add3A_18, %mul3A_26, %dma_wait3A_71] : memref<4x512x128xf32, #tpu.memory_space<hbm>> -> memref<1x32x128xf32, #tpu.memory_space<hbm>>
    %dma_wait3A_73 = tpu.memref_squeeze %dma_wait3A_72 : memref<1x32x128xf32, #tpu.memory_space<hbm>> -> memref<32x128xf32, #tpu.memory_space<hbm>>
    %dma_wait3A_74 = arith.constant 0 : i32
    %dma_wait3A_75 = tpu.memref_slice %arg2[%add3A_18, %mul3A_26, %dma_wait3A_74] : memref<4x512x128xf32, #tpu.memory_space<hbm>> -> memref<1x32x128xf32, #tpu.memory_space<hbm>>
    %dma_wait3A_76 = tpu.memref_squeeze %dma_wait3A_75 : memref<1x32x128xf32, #tpu.memory_space<hbm>> -> memref<32x128xf32, #tpu.memory_space<hbm>>
    tpu.wait_dma2 semaphore(%arg14 : memref<!tpu.dma_semaphore, #tpu.memory_space<semaphore_mem>>) src(%dma_wait3A_76 : memref<32x128xf32, #tpu.memory_space<hbm>>) dst(%arg6 : memref<32x128xf32, #tpu.memory_space<vmem>>)
    "tpu.region"() ({
      %run_scoped3A = tpu.sem_alloc : memref<!tpu.dma_semaphore, #tpu.memory_space<semaphore_mem>>
      %dma_start3A_85 = arith.constant 0 : i32
      %dma_start3A_86 = arith.constant 0 : i32
      %dma_start3A_87 = tpu.memref_slice %arg10[%dma_start3A_85, %dma_start3A_86] : memref<2048x128xf32, #tpu.memory_space<vmem_shared>> -> memref<2048x128xf32, #tpu.memory_space<vmem_shared>>
      tpu.enqueue_indirect_dma source(%arg6 : memref<32x128xf32, #tpu.memory_space<vmem>>) target(%dma_start3A_87 : memref<2048x128xf32, #tpu.memory_space<vmem_shared>>) offsets(%arg8 : memref<32xi32, #tpu.memory_space<vmem>>) semaphore(%run_scoped3A : memref<!tpu.dma_semaphore, #tpu.memory_space<semaphore_mem>>) {add = true}
      %dma_wait3A_88 = arith.constant 0 : i32
      %dma_wait3A_89 = arith.constant 0 : i32
      %dma_wait3A_90 = tpu.memref_slice %arg10[%dma_wait3A_88, %dma_wait3A_89] : memref<2048x128xf32, #tpu.memory_space<vmem_shared>> -> memref<2048x128xf32, #tpu.memory_space<vmem_shared>>
      tpu.wait_indirect_dma semaphore(%run_scoped3A : memref<!tpu.dma_semaphore, #tpu.memory_space<semaphore_mem>>) src(%arg6 : memref<32x128xf32, #tpu.memory_space<vmem>>) dst(%dma_wait3A_90 : memref<2048x128xf32, #tpu.memory_space<vmem_shared>>)
      tpu.yield
    }) : () -> ()
    %barrier3A_77 = arith.constant 0 : index
    tpu.barrier barrier_id(%barrier3A_77)
    %mul3A_78 = arith.constant 2048 : i32
    %mul3A_79 = arith.muli %arg0, %mul3A_78 : i32
    %mul3A_80 = arith.constant 128 : i32
    %mul3A_81 = arith.muli %arg1, %mul3A_80 : i32
    %add3A_82 = arith.addi %mul3A_79, %mul3A_81 : i32
    %mul3A_83 = arith.constant 128 : i32
    %mul3A_84 = arith.muli %arg1, %mul3A_83 : i32
    "tpu.region"() ({
      %run_scoped3A = tpu.sem_alloc : memref<!tpu.dma_semaphore, #tpu.memory_space<semaphore_mem>>
      %dma_start3A_85 = arith.constant 0 : i32
      %dma_start3A_86 = tpu.memref_slice %arg4[%add3A_82, %dma_start3A_85] : memref<4096x128xf32, #tpu.memory_space<hbm>> -> memref<128x128xf32, #tpu.memory_space<hbm>>
      %dma_start3A_87 = arith.constant 0 : i32
      %dma_start3A_88 = tpu.memref_slice %arg10[%mul3A_84, %dma_start3A_87] : memref<2048x128xf32, #tpu.memory_space<vmem_shared>> -> memref<128x128xf32, #tpu.memory_space<vmem_shared>>
      tpu.enqueue_dma source(%dma_start3A_88 : memref<128x128xf32, #tpu.memory_space<vmem_shared>>) target(%dma_start3A_86 : memref<128x128xf32, #tpu.memory_space<hbm>>) target_semaphore(%run_scoped3A : memref<!tpu.dma_semaphore, #tpu.memory_space<semaphore_mem>>)
      %dma_wait3A_89 = arith.constant 0 : i32
      %dma_wait3A_90 = tpu.memref_slice %arg4[%add3A_82, %dma_wait3A_89] : memref<4096x128xf32, #tpu.memory_space<hbm>> -> memref<128x128xf32, #tpu.memory_space<hbm>>
      %dma_wait3A_91 = arith.constant 0 : i32
      %dma_wait3A_92 = tpu.memref_slice %arg10[%mul3A_84, %dma_wait3A_91] : memref<2048x128xf32, #tpu.memory_space<vmem_shared>> -> memref<128x128xf32, #tpu.memory_space<vmem_shared>>
      tpu.wait_dma2 semaphore(%run_scoped3A : memref<!tpu.dma_semaphore, #tpu.memory_space<semaphore_mem>>) src(%dma_wait3A_92 : memref<128x128xf32, #tpu.memory_space<vmem_shared>>) dst(%dma_wait3A_90 : memref<128x128xf32, #tpu.memory_space<hbm>>)
      tpu.yield
    }) : () -> ()
    return
  }
}

module attributes {stable_mosaic.version = 14 : i64} {
  func.func @_tc_body(%arg0: i32, %arg1: memref<1xf32, #tpu.memory_space<smem>>, %arg2: memref<1x1024x128xf32, #tpu.memory_space<vmem>>, %arg3: memref<1x1024x1024xf32, #tpu.memory_space<vmem>>, %arg4: memref<1x1024x128xf32, #tpu.memory_space<vmem>>, %arg5: memref<1x1024x128xf32, #tpu.memory_space<vmem>>, %arg6: memref<128x512xf32, #tpu.memory_space<vmem>>, %arg7: memref<512x8xf32, #tpu.memory_space<vmem>>, %arg8: memref<256x512xf32, #tpu.memory_space<vmem>>, %arg9: memref<512x8xf32, #tpu.memory_space<vmem>>, %arg10: memref<1x1024x128xf32, #tpu.memory_space<vmem>>) attributes {dimension_semantics = [#tpu.dimension_semantics<parallel>], iteration_bounds = array<i64: 4>, scalar_prefetch = 0 : i64, scratch_operands = 0 : i64, tpu.core_type = #tpu.core_type<tc>, window_params = [{transform_indices = @transform_0, window_bounds = array<i64: 1>}, {transform_indices = @transform_1, window_bounds = array<i64: 1, 1024, 128>}, {transform_indices = @transform_2, window_bounds = array<i64: 1, 1024, 1024>}, {transform_indices = @transform_3, window_bounds = array<i64: 1, 1024, 128>}, {transform_indices = @transform_4, window_bounds = array<i64: 1, 1024, 128>}, {pipeline_mode = #tpu.pipeline_mode<synchronous>, transform_indices = @transform_5, window_bounds = array<i64: 128, 512>}, {pipeline_mode = #tpu.pipeline_mode<synchronous>, transform_indices = @transform_6, window_bounds = array<i64: 512, 8>}, {pipeline_mode = #tpu.pipeline_mode<synchronous>, transform_indices = @transform_7, window_bounds = array<i64: 256, 512>}, {pipeline_mode = #tpu.pipeline_mode<synchronous>, transform_indices = @transform_8, window_bounds = array<i64: 512, 8>}, {transform_indices = @transform_9, window_bounds = array<i64: 1, 1024, 128>}]} {
    %get3A = arith.constant 0 : index
    %get3A_0 = arith.constant 0 : index
    %get3A_1 = arith.constant 0 : index
    %get3A_2 = vector.load %arg3[%get3A, %get3A_0, %get3A_1] : memref<1x1024x1024xf32, #tpu.memory_space<vmem>>, vector<1x1024x1024xf32>
    %get3A_3 = vector.shape_cast %get3A_2 : vector<1x1024x1024xf32> to vector<1024x1024xf32>
    %iota3A = tpu.iota {dimensions = array<i32: 0>} : vector<1024x1024xi32>
    %iota3A_4 = tpu.iota {dimensions = array<i32: 1>} : vector<1024x1024xi32>
    %gt3A = arith.constant 5.000000e-01 : f32
    %gt3A_5 = vector.broadcast %gt3A : f32 to vector<1024x1024xf32>
    %gt3A_6 = arith.cmpf ogt, %get3A_3, %gt3A_5 : vector<1024x1024xf32>
    %eq3A = arith.cmpi eq, %iota3A, %iota3A_4 : vector<1024x1024xi32>
    %or3A = arith.ori %gt3A_6, %eq3A : vector<1024x1024xi1>
    %jit3A = arith.constant 0.000000e+00 : f32
    %jit3A_7 = arith.constant -1.000000e+09 : f32
    %broadcast_in_dim3A = vector.broadcast %jit3A : f32 to vector<1024x1024xf32>
    %broadcast_in_dim3A_8 = vector.broadcast %jit3A_7 : f32 to vector<1024x1024xf32>
    %select_n3A = arith.select %or3A, %broadcast_in_dim3A, %broadcast_in_dim3A_8 : vector<1024x1024xi1>, vector<1024x1024xf32>
    %get3A_9 = arith.constant 0 : index
    %get3A_10 = arith.constant 0 : index
    %get3A_11 = arith.constant 0 : index
    %get3A_12 = vector.load %arg2[%get3A_9, %get3A_10, %get3A_11] : memref<1x1024x128xf32, #tpu.memory_space<vmem>>, vector<1x1024x128xf32>
    %get3A_13 = vector.shape_cast %get3A_12 : vector<1x1024x128xf32> to vector<1024x128xf32>
    %get3A_14 = arith.constant 0 : index
    %get3A_15 = arith.constant 0 : index
    %get3A_16 = vector.load %arg6[%get3A_14, %get3A_15] : memref<128x512xf32, #tpu.memory_space<vmem>>, vector<128x512xf32>
    %dot_general3A = arith.constant dense<0.000000e+00> : vector<1024x512xf32>
    %dot_general3A_17 = tpu.matmul %get3A_13, %get3A_16, %dot_general3A {dimension_numbers = #tpu.dot_dimension_numbers<[1], [0], [0], [1], [0, 0, 1, 1], [], []>, transpose_lhs_hint = false} : vector<1024x128xf32>, vector<128x512xf32>, vector<1024x512xf32> -> vector<1024x512xf32>
    %get3A_18 = arith.constant 0 : index
    %get3A_19 = arith.constant 0 : index
    %get3A_20 = vector.load %arg7[%get3A_18, %get3A_19] : memref<512x8xf32, #tpu.memory_space<vmem>>, vector<512x8xf32>
    %broadcast_in_dim3A_21 = arith.constant 0.000000e+00 : f32
    %broadcast_in_dim3A_22 = vector.broadcast %broadcast_in_dim3A_21 : f32 to vector<1024x128xf32>
    %convert_element_type3A = arith.truncf %dot_general3A_17 : vector<1024x512xf32> to vector<1024x512xbf16>
    %dot_general3A_23 = arith.constant dense<0.000000e+00> : vector<1024x8xf32>
    %dot_general3A_24 = tpu.matmul %dot_general3A_17, %get3A_20, %dot_general3A_23 {dimension_numbers = #tpu.dot_dimension_numbers<[1], [0], [0], [1], [0, 0, 1, 1], [], []>, transpose_lhs_hint = false} : vector<1024x512xf32>, vector<512x8xf32>, vector<1024x8xf32> -> vector<1024x8xf32>
    %slice3A = vector.extract_strided_slice %dot_general3A_24 {offsets = [0, 4], sizes = [1024, 4], strides = [1, 1]} : vector<1024x8xf32> to vector<1024x4xf32>
    %transpose3A = tpu.transpose %slice3A, [1, 0] : vector<1024x4xf32> -> vector<4x1024xf32>
    %slice3A_25 = vector.extract_strided_slice %dot_general3A_24 {offsets = [0, 0], sizes = [1024, 1], strides = [1, 1]} : vector<1024x8xf32> to vector<1024x1xf32>
    %slice3A_26 = vector.extract_strided_slice %transpose3A {offsets = [0, 0], sizes = [1, 1024], strides = [1, 1]} : vector<4x1024xf32> to vector<1x1024xf32>
    %add3A = vector.broadcast %slice3A_25 : vector<1024x1xf32> to vector<1024x1024xf32>
    %add3A_27 = vector.broadcast %slice3A_26 : vector<1x1024xf32> to vector<1024x1024xf32>
    %add3A_28 = arith.addf %add3A, %add3A_27 : vector<1024x1024xf32>
    %mul3A = arith.constant 2.000000e-01 : f32
    %mul3A_29 = vector.broadcast %mul3A : f32 to vector<1024x1024xf32>
    %mul3A_30 = arith.mulf %mul3A_29, %add3A_28 : vector<1024x1024xf32>
    %max3A = arith.maximumf %add3A_28, %mul3A_30 : vector<1024x1024xf32>
    %add3A_31 = arith.addf %max3A, %select_n3A : vector<1024x1024xf32>
    %exp23A = math.exp2 %add3A_31 : vector<1024x1024xf32>
    %convert_element_type3A_32 = arith.truncf %exp23A : vector<1024x1024xf32> to vector<1024x1024xbf16>
    %reduce_sum3A = arith.constant dense<0.000000e+00> : vector<1024xf32>
    %reduce_sum3A_33 = vector.multi_reduction <add>, %exp23A, %reduce_sum3A [1] : vector<1024x1024xf32> to vector<1024xf32>
    %broadcast_in_dim3A_34 = vector.shape_cast %reduce_sum3A_33 : vector<1024xf32> to vector<1024x1xf32>
    %slice3A_35 = vector.extract_strided_slice %convert_element_type3A {offsets = [0, 0], sizes = [1024, 128], strides = [1, 1]} : vector<1024x512xbf16> to vector<1024x128xbf16>
    %dot_general3A_36 = arith.constant dense<0.000000e+00> : vector<1024x128xf32>
    %dot_general3A_37 = tpu.matmul %convert_element_type3A_32, %slice3A_35, %dot_general3A_36 {dimension_numbers = #tpu.dot_dimension_numbers<[1], [0], [0], [1], [0, 0, 1, 1], [], []>, transpose_lhs_hint = false} : vector<1024x1024xbf16>, vector<1024x128xbf16>, vector<1024x128xf32> -> vector<1024x128xf32>
    %div3A = arith.constant 2.500000e-01 : f32
    %div3A_38 = vector.broadcast %div3A : f32 to vector<1024x1xf32>
    %div3A_39 = arith.divf %div3A_38, %broadcast_in_dim3A_34 : vector<1024x1xf32>
    %mul3A_40 = vector.broadcast %div3A_39 : vector<1024x1xf32> to vector<1024x128xf32>
    %mul3A_41 = arith.mulf %dot_general3A_37, %mul3A_40 : vector<1024x128xf32>
    %add3A_42 = arith.addf %broadcast_in_dim3A_22, %mul3A_41 : vector<1024x128xf32>
    %slice3A_43 = vector.extract_strided_slice %dot_general3A_24 {offsets = [0, 1], sizes = [1024, 1], strides = [1, 1]} : vector<1024x8xf32> to vector<1024x1xf32>
    %slice3A_44 = vector.extract_strided_slice %transpose3A {offsets = [1, 0], sizes = [1, 1024], strides = [1, 1]} : vector<4x1024xf32> to vector<1x1024xf32>
    %add3A_45 = vector.broadcast %slice3A_43 : vector<1024x1xf32> to vector<1024x1024xf32>
    %add3A_46 = vector.broadcast %slice3A_44 : vector<1x1024xf32> to vector<1024x1024xf32>
    %add3A_47 = arith.addf %add3A_45, %add3A_46 : vector<1024x1024xf32>
    %mul3A_48 = arith.constant 2.000000e-01 : f32
    %mul3A_49 = vector.broadcast %mul3A_48 : f32 to vector<1024x1024xf32>
    %mul3A_50 = arith.mulf %mul3A_49, %add3A_47 : vector<1024x1024xf32>
    %max3A_51 = arith.maximumf %add3A_47, %mul3A_50 : vector<1024x1024xf32>
    %add3A_52 = arith.addf %max3A_51, %select_n3A : vector<1024x1024xf32>
    %exp23A_53 = math.exp2 %add3A_52 : vector<1024x1024xf32>
    %convert_element_type3A_54 = arith.truncf %exp23A_53 : vector<1024x1024xf32> to vector<1024x1024xbf16>
    %reduce_sum3A_55 = arith.constant dense<0.000000e+00> : vector<1024xf32>
    %reduce_sum3A_56 = vector.multi_reduction <add>, %exp23A_53, %reduce_sum3A_55 [1] : vector<1024x1024xf32> to vector<1024xf32>
    %broadcast_in_dim3A_57 = vector.shape_cast %reduce_sum3A_56 : vector<1024xf32> to vector<1024x1xf32>
    %slice3A_58 = vector.extract_strided_slice %convert_element_type3A {offsets = [0, 128], sizes = [1024, 128], strides = [1, 1]} : vector<1024x512xbf16> to vector<1024x128xbf16>
    %dot_general3A_59 = arith.constant dense<0.000000e+00> : vector<1024x128xf32>
    %dot_general3A_60 = tpu.matmul %convert_element_type3A_54, %slice3A_58, %dot_general3A_59 {dimension_numbers = #tpu.dot_dimension_numbers<[1], [0], [0], [1], [0, 0, 1, 1], [], []>, transpose_lhs_hint = false} : vector<1024x1024xbf16>, vector<1024x128xbf16>, vector<1024x128xf32> -> vector<1024x128xf32>
    %div3A_61 = arith.constant 2.500000e-01 : f32
    %div3A_62 = vector.broadcast %div3A_61 : f32 to vector<1024x1xf32>
    %div3A_63 = arith.divf %div3A_62, %broadcast_in_dim3A_57 : vector<1024x1xf32>
    %mul3A_64 = vector.broadcast %div3A_63 : vector<1024x1xf32> to vector<1024x128xf32>
    %mul3A_65 = arith.mulf %dot_general3A_60, %mul3A_64 : vector<1024x128xf32>
    %add3A_66 = arith.addf %add3A_42, %mul3A_65 : vector<1024x128xf32>
    %slice3A_67 = vector.extract_strided_slice %dot_general3A_24 {offsets = [0, 2], sizes = [1024, 1], strides = [1, 1]} : vector<1024x8xf32> to vector<1024x1xf32>
    %slice3A_68 = vector.extract_strided_slice %transpose3A {offsets = [2, 0], sizes = [1, 1024], strides = [1, 1]} : vector<4x1024xf32> to vector<1x1024xf32>
    %add3A_69 = vector.broadcast %slice3A_67 : vector<1024x1xf32> to vector<1024x1024xf32>
    %add3A_70 = vector.broadcast %slice3A_68 : vector<1x1024xf32> to vector<1024x1024xf32>
    %add3A_71 = arith.addf %add3A_69, %add3A_70 : vector<1024x1024xf32>
    %mul3A_72 = arith.constant 2.000000e-01 : f32
    %mul3A_73 = vector.broadcast %mul3A_72 : f32 to vector<1024x1024xf32>
    %mul3A_74 = arith.mulf %mul3A_73, %add3A_71 : vector<1024x1024xf32>
    %max3A_75 = arith.maximumf %add3A_71, %mul3A_74 : vector<1024x1024xf32>
    %add3A_76 = arith.addf %max3A_75, %select_n3A : vector<1024x1024xf32>
    %exp23A_77 = math.exp2 %add3A_76 : vector<1024x1024xf32>
    %convert_element_type3A_78 = arith.truncf %exp23A_77 : vector<1024x1024xf32> to vector<1024x1024xbf16>
    %reduce_sum3A_79 = arith.constant dense<0.000000e+00> : vector<1024xf32>
    %reduce_sum3A_80 = vector.multi_reduction <add>, %exp23A_77, %reduce_sum3A_79 [1] : vector<1024x1024xf32> to vector<1024xf32>
    %broadcast_in_dim3A_81 = vector.shape_cast %reduce_sum3A_80 : vector<1024xf32> to vector<1024x1xf32>
    %slice3A_82 = vector.extract_strided_slice %convert_element_type3A {offsets = [0, 256], sizes = [1024, 128], strides = [1, 1]} : vector<1024x512xbf16> to vector<1024x128xbf16>
    %dot_general3A_83 = arith.constant dense<0.000000e+00> : vector<1024x128xf32>
    %dot_general3A_84 = tpu.matmul %convert_element_type3A_78, %slice3A_82, %dot_general3A_83 {dimension_numbers = #tpu.dot_dimension_numbers<[1], [0], [0], [1], [0, 0, 1, 1], [], []>, transpose_lhs_hint = false} : vector<1024x1024xbf16>, vector<1024x128xbf16>, vector<1024x128xf32> -> vector<1024x128xf32>
    %div3A_85 = arith.constant 2.500000e-01 : f32
    %div3A_86 = vector.broadcast %div3A_85 : f32 to vector<1024x1xf32>
    %div3A_87 = arith.divf %div3A_86, %broadcast_in_dim3A_81 : vector<1024x1xf32>
    %mul3A_88 = vector.broadcast %div3A_87 : vector<1024x1xf32> to vector<1024x128xf32>
    %mul3A_89 = arith.mulf %dot_general3A_84, %mul3A_88 : vector<1024x128xf32>
    %add3A_90 = arith.addf %add3A_66, %mul3A_89 : vector<1024x128xf32>
    %slice3A_91 = vector.extract_strided_slice %dot_general3A_24 {offsets = [0, 3], sizes = [1024, 1], strides = [1, 1]} : vector<1024x8xf32> to vector<1024x1xf32>
    %slice3A_92 = vector.extract_strided_slice %transpose3A {offsets = [3, 0], sizes = [1, 1024], strides = [1, 1]} : vector<4x1024xf32> to vector<1x1024xf32>
    %add3A_93 = vector.broadcast %slice3A_91 : vector<1024x1xf32> to vector<1024x1024xf32>
    %add3A_94 = vector.broadcast %slice3A_92 : vector<1x1024xf32> to vector<1024x1024xf32>
    %add3A_95 = arith.addf %add3A_93, %add3A_94 : vector<1024x1024xf32>
    %mul3A_96 = arith.constant 2.000000e-01 : f32
    %mul3A_97 = vector.broadcast %mul3A_96 : f32 to vector<1024x1024xf32>
    %mul3A_98 = arith.mulf %mul3A_97, %add3A_95 : vector<1024x1024xf32>
    %max3A_99 = arith.maximumf %add3A_95, %mul3A_98 : vector<1024x1024xf32>
    %add3A_100 = arith.addf %max3A_99, %select_n3A : vector<1024x1024xf32>
    %exp23A_101 = math.exp2 %add3A_100 : vector<1024x1024xf32>
    %convert_element_type3A_102 = arith.truncf %exp23A_101 : vector<1024x1024xf32> to vector<1024x1024xbf16>
    %reduce_sum3A_103 = arith.constant dense<0.000000e+00> : vector<1024xf32>
    %reduce_sum3A_104 = vector.multi_reduction <add>, %exp23A_101, %reduce_sum3A_103 [1] : vector<1024x1024xf32> to vector<1024xf32>
    %broadcast_in_dim3A_105 = vector.shape_cast %reduce_sum3A_104 : vector<1024xf32> to vector<1024x1xf32>
    %slice3A_106 = vector.extract_strided_slice %convert_element_type3A {offsets = [0, 384], sizes = [1024, 128], strides = [1, 1]} : vector<1024x512xbf16> to vector<1024x128xbf16>
    %dot_general3A_107 = arith.constant dense<0.000000e+00> : vector<1024x128xf32>
    %dot_general3A_108 = tpu.matmul %convert_element_type3A_102, %slice3A_106, %dot_general3A_107 {dimension_numbers = #tpu.dot_dimension_numbers<[1], [0], [0], [1], [0, 0, 1, 1], [], []>, transpose_lhs_hint = false} : vector<1024x1024xbf16>, vector<1024x128xbf16>, vector<1024x128xf32> -> vector<1024x128xf32>
    %div3A_109 = arith.constant 2.500000e-01 : f32
    %div3A_110 = vector.broadcast %div3A_109 : f32 to vector<1024x1xf32>
    %div3A_111 = arith.divf %div3A_110, %broadcast_in_dim3A_105 : vector<1024x1xf32>
    %mul3A_112 = vector.broadcast %div3A_111 : vector<1024x1xf32> to vector<1024x128xf32>
    %mul3A_113 = arith.mulf %dot_general3A_108, %mul3A_112 : vector<1024x128xf32>
    %add3A_114 = arith.addf %add3A_90, %mul3A_113 : vector<1024x128xf32>
    %gt3A_115 = arith.constant 0.000000e+00 : f32
    %gt3A_116 = vector.broadcast %gt3A_115 : f32 to vector<1024x128xf32>
    %gt3A_117 = arith.cmpf ogt, %add3A_114, %gt3A_116 : vector<1024x128xf32>
    %min3A = arith.constant 0.000000e+00 : f32
    %min3A_118 = vector.broadcast %min3A : f32 to vector<1024x128xf32>
    %min3A_119 = arith.minimumf %add3A_114, %min3A_118 : vector<1024x128xf32>
    %exp3A = math.exp %min3A_119 : vector<1024x128xf32>
    %sub3A = arith.constant 1.000000e+00 : f32
    %sub3A_120 = vector.broadcast %sub3A : f32 to vector<1024x128xf32>
    %sub3A_121 = arith.subf %exp3A, %sub3A_120 : vector<1024x128xf32>
    %select_n3A_122 = arith.select %gt3A_117, %add3A_114, %sub3A_121 : vector<1024x128xi1>, vector<1024x128xf32>
    %get3A_123 = arith.constant 0 : index
    %get3A_124 = arith.constant 0 : index
    %get3A_125 = arith.constant 0 : index
    %get3A_126 = vector.load %arg4[%get3A_123, %get3A_124, %get3A_125] : memref<1x1024x128xf32, #tpu.memory_space<vmem>>, vector<1x1024x128xf32>
    %get3A_127 = vector.shape_cast %get3A_126 : vector<1x1024x128xf32> to vector<1024x128xf32>
    %add3A_128 = arith.addf %select_n3A_122, %get3A_127 : vector<1024x128xf32>
    %get3A_129 = arith.constant 0 : index
    %get3A_130 = arith.constant 0 : index
    %get3A_131 = vector.load %arg8[%get3A_129, %get3A_130] : memref<256x512xf32, #tpu.memory_space<vmem>>, vector<128x512xf32>
    %dot_general3A_132 = arith.constant dense<0.000000e+00> : vector<1024x512xf32>
    %dot_general3A_133 = tpu.matmul %add3A_128, %get3A_131, %dot_general3A_132 {dimension_numbers = #tpu.dot_dimension_numbers<[1], [0], [0], [1], [0, 0, 1, 1], [], []>, transpose_lhs_hint = false} : vector<1024x128xf32>, vector<128x512xf32>, vector<1024x512xf32> -> vector<1024x512xf32>
    %get3A_134 = arith.constant 0 : index
    %get3A_135 = arith.constant 0 : index
    %get3A_136 = arith.constant 0 : index
    %get3A_137 = vector.load %arg5[%get3A_134, %get3A_135, %get3A_136] : memref<1x1024x128xf32, #tpu.memory_space<vmem>>, vector<1x1024x128xf32>
    %get3A_138 = vector.shape_cast %get3A_137 : vector<1x1024x128xf32> to vector<1024x128xf32>
    %get3A_139 = arith.constant 128 : index
    %get3A_140 = arith.constant 0 : index
    %get3A_141 = vector.load %arg8[%get3A_139, %get3A_140] : memref<256x512xf32, #tpu.memory_space<vmem>>, vector<128x512xf32>
    %dot_general3A_142 = arith.constant dense<0.000000e+00> : vector<1024x512xf32>
    %dot_general3A_143 = tpu.matmul %get3A_138, %get3A_141, %dot_general3A_142 {dimension_numbers = #tpu.dot_dimension_numbers<[1], [0], [0], [1], [0, 0, 1, 1], [], []>, transpose_lhs_hint = false} : vector<1024x128xf32>, vector<128x512xf32>, vector<1024x512xf32> -> vector<1024x512xf32>
    %add3A_144 = arith.addf %dot_general3A_133, %dot_general3A_143 : vector<1024x512xf32>
    %get3A_145 = arith.constant 0 : index
    %get3A_146 = arith.constant 0 : index
    %get3A_147 = vector.load %arg9[%get3A_145, %get3A_146] : memref<512x8xf32, #tpu.memory_space<vmem>>, vector<512x8xf32>
    %broadcast_in_dim3A_148 = arith.constant 0.000000e+00 : f32
    %broadcast_in_dim3A_149 = vector.broadcast %broadcast_in_dim3A_148 : f32 to vector<1024x128xf32>
    %convert_element_type3A_150 = arith.truncf %add3A_144 : vector<1024x512xf32> to vector<1024x512xbf16>
    %dot_general3A_151 = arith.constant dense<0.000000e+00> : vector<1024x8xf32>
    %dot_general3A_152 = tpu.matmul %add3A_144, %get3A_147, %dot_general3A_151 {dimension_numbers = #tpu.dot_dimension_numbers<[1], [0], [0], [1], [0, 0, 1, 1], [], []>, transpose_lhs_hint = false} : vector<1024x512xf32>, vector<512x8xf32>, vector<1024x8xf32> -> vector<1024x8xf32>
    %slice3A_153 = vector.extract_strided_slice %dot_general3A_152 {offsets = [0, 4], sizes = [1024, 4], strides = [1, 1]} : vector<1024x8xf32> to vector<1024x4xf32>
    %transpose3A_154 = tpu.transpose %slice3A_153, [1, 0] : vector<1024x4xf32> -> vector<4x1024xf32>
    %slice3A_155 = vector.extract_strided_slice %dot_general3A_152 {offsets = [0, 0], sizes = [1024, 1], strides = [1, 1]} : vector<1024x8xf32> to vector<1024x1xf32>
    %slice3A_156 = vector.extract_strided_slice %transpose3A_154 {offsets = [0, 0], sizes = [1, 1024], strides = [1, 1]} : vector<4x1024xf32> to vector<1x1024xf32>
    %add3A_157 = vector.broadcast %slice3A_155 : vector<1024x1xf32> to vector<1024x1024xf32>
    %add3A_158 = vector.broadcast %slice3A_156 : vector<1x1024xf32> to vector<1024x1024xf32>
    %add3A_159 = arith.addf %add3A_157, %add3A_158 : vector<1024x1024xf32>
    %mul3A_160 = arith.constant 2.000000e-01 : f32
    %mul3A_161 = vector.broadcast %mul3A_160 : f32 to vector<1024x1024xf32>
    %mul3A_162 = arith.mulf %mul3A_161, %add3A_159 : vector<1024x1024xf32>
    %max3A_163 = arith.maximumf %add3A_159, %mul3A_162 : vector<1024x1024xf32>
    %add3A_164 = arith.addf %max3A_163, %select_n3A : vector<1024x1024xf32>
    %exp23A_165 = math.exp2 %add3A_164 : vector<1024x1024xf32>
    %convert_element_type3A_166 = arith.truncf %exp23A_165 : vector<1024x1024xf32> to vector<1024x1024xbf16>
    %reduce_sum3A_167 = arith.constant dense<0.000000e+00> : vector<1024xf32>
    %reduce_sum3A_168 = vector.multi_reduction <add>, %exp23A_165, %reduce_sum3A_167 [1] : vector<1024x1024xf32> to vector<1024xf32>
    %broadcast_in_dim3A_169 = vector.shape_cast %reduce_sum3A_168 : vector<1024xf32> to vector<1024x1xf32>
    %slice3A_170 = vector.extract_strided_slice %convert_element_type3A_150 {offsets = [0, 0], sizes = [1024, 128], strides = [1, 1]} : vector<1024x512xbf16> to vector<1024x128xbf16>
    %dot_general3A_171 = arith.constant dense<0.000000e+00> : vector<1024x128xf32>
    %dot_general3A_172 = tpu.matmul %convert_element_type3A_166, %slice3A_170, %dot_general3A_171 {dimension_numbers = #tpu.dot_dimension_numbers<[1], [0], [0], [1], [0, 0, 1, 1], [], []>, transpose_lhs_hint = false} : vector<1024x1024xbf16>, vector<1024x128xbf16>, vector<1024x128xf32> -> vector<1024x128xf32>
    %div3A_173 = arith.constant 2.500000e-01 : f32
    %div3A_174 = vector.broadcast %div3A_173 : f32 to vector<1024x1xf32>
    %div3A_175 = arith.divf %div3A_174, %broadcast_in_dim3A_169 : vector<1024x1xf32>
    %mul3A_176 = vector.broadcast %div3A_175 : vector<1024x1xf32> to vector<1024x128xf32>
    %mul3A_177 = arith.mulf %dot_general3A_172, %mul3A_176 : vector<1024x128xf32>
    %add3A_178 = arith.addf %broadcast_in_dim3A_149, %mul3A_177 : vector<1024x128xf32>
    %slice3A_179 = vector.extract_strided_slice %dot_general3A_152 {offsets = [0, 1], sizes = [1024, 1], strides = [1, 1]} : vector<1024x8xf32> to vector<1024x1xf32>
    %slice3A_180 = vector.extract_strided_slice %transpose3A_154 {offsets = [1, 0], sizes = [1, 1024], strides = [1, 1]} : vector<4x1024xf32> to vector<1x1024xf32>
    %add3A_181 = vector.broadcast %slice3A_179 : vector<1024x1xf32> to vector<1024x1024xf32>
    %add3A_182 = vector.broadcast %slice3A_180 : vector<1x1024xf32> to vector<1024x1024xf32>
    %add3A_183 = arith.addf %add3A_181, %add3A_182 : vector<1024x1024xf32>
    %mul3A_184 = arith.constant 2.000000e-01 : f32
    %mul3A_185 = vector.broadcast %mul3A_184 : f32 to vector<1024x1024xf32>
    %mul3A_186 = arith.mulf %mul3A_185, %add3A_183 : vector<1024x1024xf32>
    %max3A_187 = arith.maximumf %add3A_183, %mul3A_186 : vector<1024x1024xf32>
    %add3A_188 = arith.addf %max3A_187, %select_n3A : vector<1024x1024xf32>
    %exp23A_189 = math.exp2 %add3A_188 : vector<1024x1024xf32>
    %convert_element_type3A_190 = arith.truncf %exp23A_189 : vector<1024x1024xf32> to vector<1024x1024xbf16>
    %reduce_sum3A_191 = arith.constant dense<0.000000e+00> : vector<1024xf32>
    %reduce_sum3A_192 = vector.multi_reduction <add>, %exp23A_189, %reduce_sum3A_191 [1] : vector<1024x1024xf32> to vector<1024xf32>
    %broadcast_in_dim3A_193 = vector.shape_cast %reduce_sum3A_192 : vector<1024xf32> to vector<1024x1xf32>
    %slice3A_194 = vector.extract_strided_slice %convert_element_type3A_150 {offsets = [0, 128], sizes = [1024, 128], strides = [1, 1]} : vector<1024x512xbf16> to vector<1024x128xbf16>
    %dot_general3A_195 = arith.constant dense<0.000000e+00> : vector<1024x128xf32>
    %dot_general3A_196 = tpu.matmul %convert_element_type3A_190, %slice3A_194, %dot_general3A_195 {dimension_numbers = #tpu.dot_dimension_numbers<[1], [0], [0], [1], [0, 0, 1, 1], [], []>, transpose_lhs_hint = false} : vector<1024x1024xbf16>, vector<1024x128xbf16>, vector<1024x128xf32> -> vector<1024x128xf32>
    %div3A_197 = arith.constant 2.500000e-01 : f32
    %div3A_198 = vector.broadcast %div3A_197 : f32 to vector<1024x1xf32>
    %div3A_199 = arith.divf %div3A_198, %broadcast_in_dim3A_193 : vector<1024x1xf32>
    %mul3A_200 = vector.broadcast %div3A_199 : vector<1024x1xf32> to vector<1024x128xf32>
    %mul3A_201 = arith.mulf %dot_general3A_196, %mul3A_200 : vector<1024x128xf32>
    %add3A_202 = arith.addf %add3A_178, %mul3A_201 : vector<1024x128xf32>
    %slice3A_203 = vector.extract_strided_slice %dot_general3A_152 {offsets = [0, 2], sizes = [1024, 1], strides = [1, 1]} : vector<1024x8xf32> to vector<1024x1xf32>
    %slice3A_204 = vector.extract_strided_slice %transpose3A_154 {offsets = [2, 0], sizes = [1, 1024], strides = [1, 1]} : vector<4x1024xf32> to vector<1x1024xf32>
    %add3A_205 = vector.broadcast %slice3A_203 : vector<1024x1xf32> to vector<1024x1024xf32>
    %add3A_206 = vector.broadcast %slice3A_204 : vector<1x1024xf32> to vector<1024x1024xf32>
    %add3A_207 = arith.addf %add3A_205, %add3A_206 : vector<1024x1024xf32>
    %mul3A_208 = arith.constant 2.000000e-01 : f32
    %mul3A_209 = vector.broadcast %mul3A_208 : f32 to vector<1024x1024xf32>
    %mul3A_210 = arith.mulf %mul3A_209, %add3A_207 : vector<1024x1024xf32>
    %max3A_211 = arith.maximumf %add3A_207, %mul3A_210 : vector<1024x1024xf32>
    %add3A_212 = arith.addf %max3A_211, %select_n3A : vector<1024x1024xf32>
    %exp23A_213 = math.exp2 %add3A_212 : vector<1024x1024xf32>
    %convert_element_type3A_214 = arith.truncf %exp23A_213 : vector<1024x1024xf32> to vector<1024x1024xbf16>
    %reduce_sum3A_215 = arith.constant dense<0.000000e+00> : vector<1024xf32>
    %reduce_sum3A_216 = vector.multi_reduction <add>, %exp23A_213, %reduce_sum3A_215 [1] : vector<1024x1024xf32> to vector<1024xf32>
    %broadcast_in_dim3A_217 = vector.shape_cast %reduce_sum3A_216 : vector<1024xf32> to vector<1024x1xf32>
    %slice3A_218 = vector.extract_strided_slice %convert_element_type3A_150 {offsets = [0, 256], sizes = [1024, 128], strides = [1, 1]} : vector<1024x512xbf16> to vector<1024x128xbf16>
    %dot_general3A_219 = arith.constant dense<0.000000e+00> : vector<1024x128xf32>
    %dot_general3A_220 = tpu.matmul %convert_element_type3A_214, %slice3A_218, %dot_general3A_219 {dimension_numbers = #tpu.dot_dimension_numbers<[1], [0], [0], [1], [0, 0, 1, 1], [], []>, transpose_lhs_hint = false} : vector<1024x1024xbf16>, vector<1024x128xbf16>, vector<1024x128xf32> -> vector<1024x128xf32>
    %div3A_221 = arith.constant 2.500000e-01 : f32
    %div3A_222 = vector.broadcast %div3A_221 : f32 to vector<1024x1xf32>
    %div3A_223 = arith.divf %div3A_222, %broadcast_in_dim3A_217 : vector<1024x1xf32>
    %mul3A_224 = vector.broadcast %div3A_223 : vector<1024x1xf32> to vector<1024x128xf32>
    %mul3A_225 = arith.mulf %dot_general3A_220, %mul3A_224 : vector<1024x128xf32>
    %add3A_226 = arith.addf %add3A_202, %mul3A_225 : vector<1024x128xf32>
    %slice3A_227 = vector.extract_strided_slice %dot_general3A_152 {offsets = [0, 3], sizes = [1024, 1], strides = [1, 1]} : vector<1024x8xf32> to vector<1024x1xf32>
    %slice3A_228 = vector.extract_strided_slice %transpose3A_154 {offsets = [3, 0], sizes = [1, 1024], strides = [1, 1]} : vector<4x1024xf32> to vector<1x1024xf32>
    %add3A_229 = vector.broadcast %slice3A_227 : vector<1024x1xf32> to vector<1024x1024xf32>
    %add3A_230 = vector.broadcast %slice3A_228 : vector<1x1024xf32> to vector<1024x1024xf32>
    %add3A_231 = arith.addf %add3A_229, %add3A_230 : vector<1024x1024xf32>
    %mul3A_232 = arith.constant 2.000000e-01 : f32
    %mul3A_233 = vector.broadcast %mul3A_232 : f32 to vector<1024x1024xf32>
    %mul3A_234 = arith.mulf %mul3A_233, %add3A_231 : vector<1024x1024xf32>
    %max3A_235 = arith.maximumf %add3A_231, %mul3A_234 : vector<1024x1024xf32>
    %add3A_236 = arith.addf %max3A_235, %select_n3A : vector<1024x1024xf32>
    %exp23A_237 = math.exp2 %add3A_236 : vector<1024x1024xf32>
    %convert_element_type3A_238 = arith.truncf %exp23A_237 : vector<1024x1024xf32> to vector<1024x1024xbf16>
    %reduce_sum3A_239 = arith.constant dense<0.000000e+00> : vector<1024xf32>
    %reduce_sum3A_240 = vector.multi_reduction <add>, %exp23A_237, %reduce_sum3A_239 [1] : vector<1024x1024xf32> to vector<1024xf32>
    %broadcast_in_dim3A_241 = vector.shape_cast %reduce_sum3A_240 : vector<1024xf32> to vector<1024x1xf32>
    %slice3A_242 = vector.extract_strided_slice %convert_element_type3A_150 {offsets = [0, 384], sizes = [1024, 128], strides = [1, 1]} : vector<1024x512xbf16> to vector<1024x128xbf16>
    %dot_general3A_243 = arith.constant dense<0.000000e+00> : vector<1024x128xf32>
    %dot_general3A_244 = tpu.matmul %convert_element_type3A_238, %slice3A_242, %dot_general3A_243 {dimension_numbers = #tpu.dot_dimension_numbers<[1], [0], [0], [1], [0, 0, 1, 1], [], []>, transpose_lhs_hint = false} : vector<1024x1024xbf16>, vector<1024x128xbf16>, vector<1024x128xf32> -> vector<1024x128xf32>
    %div3A_245 = arith.constant 2.500000e-01 : f32
    %div3A_246 = vector.broadcast %div3A_245 : f32 to vector<1024x1xf32>
    %div3A_247 = arith.divf %div3A_246, %broadcast_in_dim3A_241 : vector<1024x1xf32>
    %mul3A_248 = vector.broadcast %div3A_247 : vector<1024x1xf32> to vector<1024x128xf32>
    %mul3A_249 = arith.mulf %dot_general3A_244, %mul3A_248 : vector<1024x128xf32>
    %add3A_250 = arith.addf %add3A_226, %mul3A_249 : vector<1024x128xf32>
    %gt3A_251 = arith.constant 0.000000e+00 : f32
    %gt3A_252 = vector.broadcast %gt3A_251 : f32 to vector<1024x128xf32>
    %gt3A_253 = arith.cmpf ogt, %add3A_250, %gt3A_252 : vector<1024x128xf32>
    %min3A_254 = arith.constant 0.000000e+00 : f32
    %min3A_255 = vector.broadcast %min3A_254 : f32 to vector<1024x128xf32>
    %min3A_256 = arith.minimumf %add3A_250, %min3A_255 : vector<1024x128xf32>
    %exp3A_257 = math.exp %min3A_256 : vector<1024x128xf32>
    %sub3A_258 = arith.constant 1.000000e+00 : f32
    %sub3A_259 = vector.broadcast %sub3A_258 : f32 to vector<1024x128xf32>
    %sub3A_260 = arith.subf %exp3A_257, %sub3A_259 : vector<1024x128xf32>
    %select_n3A_261 = arith.select %gt3A_253, %add3A_250, %sub3A_260 : vector<1024x128xi1>, vector<1024x128xf32>
    %get3A_262 = arith.constant 0 : index
    %get3A_263 = memref.load %arg1[%get3A_262] : memref<1xf32, #tpu.memory_space<smem>>
    %mul3A_264 = vector.broadcast %get3A_263 : f32 to vector<1024x128xf32>
    %mul3A_265 = arith.mulf %select_n3A_261, %mul3A_264 : vector<1024x128xf32>
    %swap3A = arith.constant 0 : index
    %swap3A_266 = arith.constant 0 : index
    %swap3A_267 = arith.constant 0 : index
    %swap3A_268 = vector.load %arg10[%swap3A, %swap3A_266, %swap3A_267] : memref<1x1024x128xf32, #tpu.memory_space<vmem>>, vector<1x1024x128xf32>
    %swap3A_269 = vector.shape_cast %swap3A_268 : vector<1x1024x128xf32> to vector<1024x128xf32>
    %swap3A_270 = vector.shape_cast %mul3A_265 : vector<1024x128xf32> to vector<1x1024x128xf32>
    tpu.vector_store %arg10[%swap3A, %swap3A_266, %swap3A_267], %swap3A_270 {strides = array<i32>} : memref<1x1024x128xf32, #tpu.memory_space<vmem>>, vector<1x1024x128xf32>,
    return
  }
  func.func @transform_0(%arg0: i32) -> i32 {
    %c0_i32 = arith.constant 0 : i32
    %c0_i32_0 = arith.constant 0 : i32
    return %c0_i32 : i32
  }
  func.func @transform_1(%arg0: i32) -> (i32, i32, i32) {
    %c0_i32 = arith.constant 0 : i32
    %c0_i32_0 = arith.constant 0 : i32
    %c0_i32_1 = arith.constant 0 : i32
    return %arg0, %c0_i32, %c0_i32_0 : i32, i32, i32
  }
  func.func @transform_2(%arg0: i32) -> (i32, i32, i32) {
    %c0_i32 = arith.constant 0 : i32
    %c0_i32_0 = arith.constant 0 : i32
    %c0_i32_1 = arith.constant 0 : i32
    return %arg0, %c0_i32, %c0_i32_0 : i32, i32, i32
  }
  func.func @transform_3(%arg0: i32) -> (i32, i32, i32) {
    %c0_i32 = arith.constant 0 : i32
    %c0_i32_0 = arith.constant 0 : i32
    %c0_i32_1 = arith.constant 0 : i32
    return %arg0, %c0_i32, %c0_i32_0 : i32, i32, i32
  }
  func.func @transform_4(%arg0: i32) -> (i32, i32, i32) {
    %c0_i32 = arith.constant 0 : i32
    %c0_i32_0 = arith.constant 0 : i32
    %c0_i32_1 = arith.constant 0 : i32
    return %arg0, %c0_i32, %c0_i32_0 : i32, i32, i32
  }
  func.func @transform_5(%arg0: i32) -> (i32, i32) {
    %c0_i32 = arith.constant 0 : i32
    %c0_i32_0 = arith.constant 0 : i32
    %c0_i32_1 = arith.constant 0 : i32
    return %c0_i32, %c0_i32_0 : i32, i32
  }
  func.func @transform_6(%arg0: i32) -> (i32, i32) {
    %c0_i32 = arith.constant 0 : i32
    %c0_i32_0 = arith.constant 0 : i32
    %c0_i32_1 = arith.constant 0 : i32
    return %c0_i32, %c0_i32_0 : i32, i32
  }
  func.func @transform_7(%arg0: i32) -> (i32, i32) {
    %c0_i32 = arith.constant 0 : i32
    %c0_i32_0 = arith.constant 0 : i32
    %c0_i32_1 = arith.constant 0 : i32
    return %c0_i32, %c0_i32_0 : i32, i32
  }
  func.func @transform_8(%arg0: i32) -> (i32, i32) {
    %c0_i32 = arith.constant 0 : i32
    %c0_i32_0 = arith.constant 0 : i32
    %c0_i32_1 = arith.constant 0 : i32
    return %c0_i32, %c0_i32_0 : i32, i32
  }
  func.func @transform_9(%arg0: i32) -> (i32, i32, i32) {
    %c0_i32 = arith.constant 0 : i32
    %c0_i32_0 = arith.constant 0 : i32
    %c0_i32_1 = arith.constant 0 : i32
    return %arg0, %c0_i32, %c0_i32_0 : i32, i32, i32
  }
}

</mosaic_0001>

<sc_bundles>
// kernel: kernel.4.cloned.1.call-start
scs
__scs_entry_jumppad:
0x0: {  	(pc) =	sbr.rel $0x88, $3  }
0x1: {  	(tag) =	ssettag $0x0;
	lr =	simm.s32 $0x1  }
0x2: {  	[smem:$0x3F95] =	sst lr;
	_ =	strace $0xD0000000  }
0x3: {  	_ = 	snop  }
0x4: {  	_ = 	snop  }
0x5: {  	_ = 	snop  }
0x6: {  	_ = 	snop  }
0x7: {  	_ = 	snop  }
__scs_overlays_trampoline_lowered:
0x8: {  	[smem:$0x3FA4] =	sst s0  }
0x9: {  	[smem:$0x3FA5] =	sst s1  }
0xa: {  	[smem:$0x3FA6] =	sst s2  }
0xb: {  	[smem:$0x3FA7] =	sst s3  }
0xc: {  	[smem:$0x3FA8] =	sst s4  }
0xd: {  	[smem:$0x3FA9] =	sst s5  }
0xe: {  	[smem:$0x3FAA] =	sst s6  }
0xf: {  	[smem:$0x3FAB] =	sst s7  }
0x10: {  	[smem:$0x3FAC] =	sst s8  }
0x11: {  	[smem:$0x3FAD] =	sst s9;
	s0 =	simm.s32 @!p0 $0x0  }
0x12: {  	s1 =	sld [smem:$0x3F93];
	s0 =	simm.s32 @p0 $0x1  }
0x13: {  	[smem:$0x3FAE] =	sst s0;
	s0 =	simm.s32 @!p1 $0x0  }
0x14: {  	s2 =	sld [smem:$0x3F92];
	s0 =	simm.s32 @p1 $0x1  }
0x15: {  	[smem:$0x3FAF] =	sst s0;
	s0 =	simm.s32 @!p2 $0x0  }
0x16: {  	s3 =	sld [smem:$0x3FDB];
	s0 =	simm.s32 @p2 $0x1  }
0x17: {  	s4 =	simm.s32 $0x1BF5;
	[smem:$0x3FB1] =	sst s0  }
0x18: {  	s0 =	sld [smem:$0x3F94];
	_ =	swait.ge [sflag:s4], $0x0  }
0x19: {  	s7 =	sld [smem:$0x3F95]  }
0x1a: {  	s8 =	sadd.s32 $0xFFFFE003, lr  }
0x1b: {  	s9 =	sadd.s32 $0xFFFFFEF7, lr;
	s5 =	simm.s32 $0xFFFFFFFF;
	p2 =	slt.u32 s8, $0xFFFFF086  }
0x1c: {  	p1 =	slt.u32 s9, $0xF7A;
	s5 =	simm.s32 @!p2 $0x0  }
0x1d: {  	s5 =	simm.s32 @p1 $0x1;
	p0 =	seq.s32 s7, s2  }
0x1e: {  	s7 =	smul.u32 @!p0 $0xF7A, s2;
	p2 =	seq.s32 @!p0 s5, $0x0  }
0x1f: {  	s9 =	smul.u32 $0xF7A, s1;
	s8 =	simm.s32 @!p0 $0x1BF5;
	p2 =	por !p2, p0  }
0x20: {  	[sflag:s8] =	ssyncset.s32 @!p0 $0xFFFFF086;
	s6 =	sadd.s32 @!p0 s3, s7;
	s7 =	simm.s32 @!p0 $0x108  }
0x21: {  	s3 =	sadd.s32 s3, s9;
	s6 =	sadd.s32 @!p0 $0x88, s6;
	s7 =	simm.s32 @p2 $0x1082  }
0x22: {  	[simem:s7], [sflag:s8] =	dma.local @!p0 [hbm:s6], $0xF7A  }
0x23: {  	s9 =	sor.u32 $0xD0000000, s2;
	s6 =	simm.s32 $0x108;
	_ =	swait.ge @!p0 [sflag:s8], $0x0  }
0x24: {  	s3 =	sadd.s32 $0x88, s3;
	s6 =	simm.s32 @!p1 $0x1082;
	[sflag:s4] =	ssyncset.s32 $0xFFFFF086  }
0x25: {  	[simem:s6], [sflag:s4] =	dma.local [hbm:s3], $0xF7A  }
0x26: {  	[smem:$0x3F95] =	sst s1;
	(tag) =	ssettag s2;
	_ =	strace s9  }
0x27: {  	s1 =	sld [smem:$0x3FA5]  }
0x28: {  	s2 =	sld [smem:$0x3FA6]  }
0x29: {  	s4 =	sld [smem:$0x3FA8]  }
0x2a: {  	p0 =	seq.s32 s5, $0x0;
	s5 =	sld [smem:$0x3FA9]  }
0x2b: {  	s6 =	sld [smem:$0x3FAA]  }
0x2c: {  	s7 =	sld [smem:$0x3FAB]  }
0x2d: {  	s3 =	simm.s32 $0x108;
	s8 =	sld [smem:$0x3FAC]  }
0x2e: {  	s3 =	simm.s32 @!p0 $0x1082;
	s9 =	sld [smem:$0x3FAD]  }
0x2f: {  	lr =	sadd.s32 s0, s3;
	s0 =	sld [smem:$0x3FA4]  }
0x30: {  	s3 =	sld [smem:$0x3FA7]  }
0x31: {  	[smem:$0x3FB0] =	sst s10  }
0x32: {  	s10 =	sld [smem:$0x3FAE];
	_ =	sdelay $0x3  }
0x33: {  	p0 =	seq.s32 s10, $0x1;
	s10 =	sld [smem:$0x3FB0];
	_ =	sdelay $0x3  }
0x34: {  	[smem:$0x3FB0] =	sst s10  }
0x35: {  	s10 =	sld [smem:$0x3FAF];
	_ =	sdelay $0x3  }
0x36: {  	p1 =	seq.s32 s10, $0x1;
	s10 =	sld [smem:$0x3FB0];
	_ =	sdelay $0x3  }
0x37: {  	[smem:$0x3FB0] =	sst s10  }
0x38: {  	s10 =	sld [smem:$0x3FB1]  }
0x39: {  	_ = 	snop;
	(pc) =	sbr.ind lr, $3  }
0x3a: {  	_ = 	snop  }
0x3b: {  	_ = 	snop  }
0x3c: {  	p2 =	seq.s32 s10, $0x1;
	s10 =	sld [smem:$0x3FB0]  }
0x3d: {  	_ =	shalt  }
0x3e: {  	_ =	shalt  }
0x3f: {  	_ =	shalt  }
0x40: {  	_ =	shalt  }
0x41: {  	_ =	shalt  }
0x42: {  	_ =	shalt  }
0x43: {  	_ =	shalt  }
0x44: {  	_ =	shalt  }
0x45: {  	_ =	shalt  }
0x46: {  	_ =	shalt  }
0x47: {  	_ =	shalt  }
0x48: {  	_ =	shalt  }
0x49: {  	_ =	shalt  }
0x4a: {  	_ =	shalt  }
0x4b: {  	_ =	shalt  }
0x4c: {  	_ =	shalt  }
0x4d: {  	_ =	shalt  }
0x4e: {  	_ =	shalt  }
0x4f: {  	_ =	shalt  }
0x50: {  	_ =	shalt  }
0x51: {  	_ =	shalt  }
0x52: {  	_ =	shalt  }
0x53: {  	_ =	shalt  }
0x54: {  	_ =	shalt  }
0x55: {  	_ =	shalt  }
0x56: {  	_ =	shalt  }
0x57: {  	_ =	shalt  }
0x58: {  	_ =	shalt  }
0x59: {  	_ =	shalt  }
0x5a: {  	_ =	shalt  }
0x5b: {  	_ =	shalt  }
0x5c: {  	_ =	shalt  }
0x5d: {  	_ =	shalt  }
0x5e: {  	_ =	shalt  }
0x5f: {  	_ =	shalt  }
0x60: {  	_ =	shalt  }
0x61: {  	_ =	shalt  }
0x62: {  	_ =	shalt  }
0x63: {  	_ =	shalt  }
0x64: {  	_ =	shalt  }
0x65: {  	_ =	shalt  }
0x66: {  	_ =	shalt  }
0x67: {  	_ =	shalt  }
0x68: {  	_ =	shalt  }
0x69: {  	_ =	shalt  }
0x6a: {  	_ =	shalt  }
0x6b: {  	_ =	shalt  }
0x6c: {  	_ =	shalt  }
0x6d: {  	_ =	shalt  }
0x6e: {  	_ =	shalt  }
0x6f: {  	_ =	shalt  }
0x70: {  	_ =	shalt  }
0x71: {  	_ =	shalt  }
0x72: {  	_ =	shalt  }
0x73: {  	_ =	shalt  }
0x74: {  	_ =	shalt  }
0x75: {  	_ =	shalt  }
0x76: {  	_ =	shalt  }
0x77: {  	_ =	shalt  }
0x78: {  	_ =	shalt  }
0x79: {  	_ =	shalt  }
0x7a: {  	_ =	shalt  }
0x7b: {  	_ =	shalt  }
0x7c: {  	_ =	shalt  }
0x7d: {  	_ =	shalt  }
0x7e: {  	_ =	shalt  }
0x7f: {  	_ =	shalt  }
0x80: {  	_ =	shalt  }
0x81: {  	_ =	shalt  }
0x82: {  	_ =	shalt  }
0x83: {  	_ =	shalt  }
0x84: {  	_ =	shalt  }
0x85: {  	_ =	shalt  }
0x86: {  	_ =	shalt  }
0x87: {  	_ =	shalt  }
.Lfunc_end0:
.L_simem_size_0:
called_computation_lowered:
.L_overlay_start_0:
0x88: {  	s2 =	sld [smem:$0x3FD9]  }
0x89: {  	s3 =	sld [smem:$0x3FFE];
	_ =	sdelay $0x1  }
0x8a: {  	s1 =	srdreg.scid  }
0x8b: {  	s0 =	sand.u32 $0x1, s1  }
0x8c: {  	s17 =	sshll.u32 s0, $0xA;
	s2 =	sadd.s32 s3, s2  }
0x8d: {  	s2 =	sadd.s32 s2, s17  }
0x8e: {  	[smem:$0x3FBC] =	sst s2  }
0x8f: {  	_ = 	snop  }
0x90: {  	s2 =	sld [smem:$0x3FC9]  }
0x91: {  	s18 =	sld [smem:$0x3FC6];
	(tm) =	ssettm $0x1  }
0x92: {  	s4 =	sld [smem:$0x3FFB];
	_ =	sdelay $0x3  }
0x93: {  	_ =	strace s4  }
0x94: {  	s4 =	sld [smem:$0x3FFC];
	_ =	sdelay $0x3  }
0x95: {  	_ =	strace s4  }
0x96: {  	s4 =	sld [smem:$0x3FFD];
	_ =	sdelay $0x3  }
0x97: {  	_ =	strace s4  }
0x98: {  	_ =	strace $0x8FFFFFFF  }
0x99: {  	s19 =	sld [smem:$0x3FDB];
	_ =	sdelay $0x1  }
0x9a: {  	s5 =	simm.s32 $_scs_section_size  }
0x9b: {  	s6 =	simm.s32 $_size__tile_overlayer_lowered;
	s7 =	simm.s32 $_tile_overlayer_lowered  }
0x9c: {  	s22 =	simm.s32 $0x1BFF;
	s21 =	sshll.u32 s7, $0x1;
	s4 =	sadd.s32 s5, s19  }
0x9d: {  	s8 =	simm.s32 $0x0;
	s20 =	sshll.u32 s6, $0x1;
	s6 =	sadd.s32 s21, s4  }
0x9e: {  	[timem:s8], [sflag:s22] =	dma.local [hbm:s6], s20  }
0x9f: {  	_ =	swait.ge [sflag:s22], s20  }
0xa0: {  	s5 =	ssub.s32 $0x0, s20;
	[sflag:s22] =	ssyncset.done $0x0  }
0xa1: {  	[sflag:s22] =	ssyncadd.s32 s5;
	_ =	sdelay $0x1  }
0xa2: {  	s23 =	simm.s32 $0x1B8B  }
0xa3: {  	_ =	swait.ge [sflag:s23], $0x1  }
0xa4: {  	[sflag:s23] =	ssyncset.done $0x0  }
0xa5: {  	s25 =	simm.s32 $0x1B8E;
	s24 =	sld [smem:$0x3FFE];
	[sflag:s23] =	ssyncadd.s32 $0xFFFFFFFF  }
0xa6: {  	s26 =	simm.s32 $execute0_lowered;
	[smem:$0x3FD2] =	sst s25  }
0xa7: {  	s6 =	sshll.u32 s26, $0x1;
	_ =	strace $0x80000046;
	[dreg:$0x1] =	wrdreg $0xFFFFFFFF  }
0xa8: {  	s28 =	simm.s32 $_size_execute0_lowered;
	s4 =	sadd.s32 s4, s6;
	[dreg:$0x0] =	wrdreg $0x0  }
0xa9: {  	s6 =	sshll.u32 s28, $0x1;
	[dreg:$0x2] =	wrdreg s4  }
0xaa: {  	[dreg:$0x3] =	wrdreg s6  }
0xab: {  	[dreg:$0x4] =	wrdreg $0xC0  }
0xac: {  	_ =	task [dreg:s8], $0x5FFFF  }
0xad: {  	[dreg:$0x1] =	wrdreg $0xFFFFFFFF  }
0xae: {  	[dreg:$0x0] =	wrdreg $0x60  }
0xaf: {  	[dreg:$0x2] =	wrdreg s2  }
0xb0: {  	[dreg:$0x3] =	wrdreg s18  }
0xb1: {  	[dreg:$0x4] =	wrdreg s24  }
0xb2: {  	[dreg:$0x5] =	wrdreg $0x61000  }
0xb3: {  	[dreg:$0x6] =	wrdreg $0x9  }
0xb4: {  	_ =	task.clear_ibuf [dreg:s8], $0x7FFFF;
	_ =	strace $0x90000046  }
0xb5: {  	s29 =	simm.s32 $0x9;
	_ =	strace $0x80000048  }
0xb6: {  	_ =	swait.ge [sflag:s29], $0x1  }
0xb7: {  	[sflag:s29] =	ssyncadd.s32 $0xFFFFFFFF  }
0xb8: {  	_ =	strace $0x90000048  }
0xb9: {  	_ =	sfence  }
0xba: {  	s30 =	sld [smem:$0x0];
	_ =	sdelay $0x2  }
0xbb: {  	s31 =	sshll.u32 s1, $0xD;
	s1 =	sshrl.u32 s1, $0x2  }
0xbc: {  	s3 =	sand.u32 $0x4000, s31;
	s1 =	sadd.s32 s1, s30  }
0xbd: {  	s0 =	sor.u32 s3, s0;
	s1 =	sshll.u32 s1, $0x11  }
0xbe: {  	s0 =	sor.u32 s1, s0  }
0xbf: {  	s0 =	sadd.s32 $0x8F2B, s0  }
0xc0: {  	[sflag:s0] =	ssyncadd.remote.s32 $0x1  }
0xc1: {  	_ =	sfence.sel $0xFFFF  }
0xc2: {  	[dreg:$0x0] =	wrdreg $0xFFFFFFFF;
	(pc) =	sbr.abs _section_cstart, $3  }
0xc3: {  	[dreg:$0x1] =	wrdreg $0xFFFFFFFF  }
0xc4: {  	_ =	task.clear_ibuf [dreg:s8], $0x2FFFF;
	_ =	strace $0x9FFFFFFF  }
0xc5: {  	(tm) =	ssettm $0x7FFFFFFF  }
tec
execute0_lowered:
.L_overlay_start_1:
0x0: {  	(tag) =	ssettag $0x1  }
0x1: {  	s7 =	rddreg [dreg:$0x0]  }
0x2: {  	s6 =	rddreg [dreg:$0x1]  }
0x3: {  	s4 =	rddreg [dreg:$0x2]  }
0x4: {  	s2 =	rddreg [dreg:$0x3]  }
0x5: {  	s0 =	rddreg [dreg:$0x4];
	s3 =	simm.s32 $0x0  }
0x6: {  	s1 =	stileid.u32;
	s5 =	srdreg.scid;
	s16 =	simm.s32 $0x1  }
0x7: {  	s17 =	simm.s32 $0x2;
	s18 =	simm.s32 $0x20;
	s19 =	simm.s32 $0x3  }
0x8: {  	s20 =	simm.s32 $0x4;
	s23 =	simm.s32 $0x0;
	[smem:$0x7FF] =	sst s3  }
0x9: {  	s8 =	sshll.u32 s1, $0xB;
	s9 =	sand.u32 $0x1, s5;
	s26 =	sshll.u32 s1, $0x7  }
0xa: {  	s10 =	sshll.u32 s1, $0x5;
	s13 =	sshll.u32 s1, $0xC;
	s31 =	sshll.u32 s1, $0xE  }
0xb: {  	s21 =	sshll.u32 s1, $0x6;
	_ =	strace $0x80000047;
	s8 =	sadd.s32 s8, s4  }
0xc: {  	s25 =	ssub.s32 $0x2, s9;
	s5 =	sand.u32 $0x600, s26;
	s11 =	sshll.u32 s9, $0x8  }
0xd: {  	s10 =	sand.u32 $0x60, s10;
	s29 =	sshllo.u32 s9, $0x1;
	s14 =	sshll.u32 s9, $0x11  }
0xe: {  	s9 =	sshll.u32 s9, $0xF;
	s21 =	sor.u32 $0x1C05, s21;
	s12 =	sshrl.u32 s25, $0x1  }
0xf: {  	s11 =	sor.u32 s11, s5;
	s15 =	sshll.u32 s29, $0x7;
	s14 =	sor.u32 s13, s14  }
0x10: {  	s9 =	sadd.s32 s9, s8;
	s8 =	sadd.s32 s31, s2;
	s12 =	ssub.s32 s25, s12  }
0x11: {  	s28 =	sor.u32 s10, s11;
	s5 =	sor.u32 s5, s15;
	s14 =	sshrl.u32 s14, $0x3  }
0x12: {  	s11 =	sshll.u32 s29, $0x10;
	s9 =	sadd.s32 $0x1400, s9;
	s15 =	simm.s32 $0x5  }
0x13: {  	s22 =	sshrl.u32 s8, $0x3;
	s4 =	sshrl.u32 s28, $0x3;
	s10 =	sor.u32 s10, s5  }
0x14: {  	s5 =	sadd.s32 s7, s14;
	s30 =	sor.u32 s13, s11;
	s11 =	simm.s32 $0x2000  }
0x15: {  	s13 =	simm.s32 $0x1000;
	s14 =	simm.s32 $0x2100;
	s10 =	sshrl.u32 s10, $0x3  }
0x16: {  	s4 =	sadd.s32 s6, s4;
	s6 =	sadd.s32 s6, s10;
	s10 =	sshrl.u32 s30, $0x3  }
0x17: {  	v0 =	vimm.f32 $0.0e+00;
	s7 =	sadd.s32 s7, s10;
	s10 =	smax.u32 s12, $0x1;
	s12 =	simm.s32 $0x2080  }
.LBB2_1:
0x18: {  	[tilespmem:s11], [sflag:$0x1] =	stream.linear.gather [hbm4b:s4+s3], $0x20, $0x38;
	[tilespmem:$0xA100] =	vst v63  }
0x19: {  	_ = 	snop  }
0x1a: {  	[tilespmem:s3], [sflag:$0x2] =	stream.linear.gather [hbm4b:s5+s3], $0x1000, $0x38;
	[tilespmem:$0xA100] =	vst v63  }
0x1b: {  	_ = 	snop  }
0x1c: {  	[tilespmem:s12], [sflag:$0x3] =	stream.linear.gather [hbm4b:s6+s3], $0x20, $0x38;
	[tilespmem:$0xA100] =	vst v63  }
0x1d: {  	s24 =	simm.s32 $0x0;
	s25 =	simm.s32 $0x200  }
0x1e: {  	[tilespmem:s13], [sflag:$0x4] =	stream.linear.gather [hbm4b:s7+s3], $0x1000, $0x38;
	[tilespmem:$0xA100] =	vst v63  }
.LBB2_2:
0x1f: {  	p0 =	sne.s32 s25, $0xFE00;
	[tilespmem:s24+$0x2170] =	vst v0  }
0x20: {  	[tilespmem:s24+$0x2100] =	vst v0  }
0x21: {  	[tilespmem:s24+$0x2110] =	vst v0  }
.Ltmp0:
0x22: {  	[tilespmem:s24+$0x2120] =	vst v0;
	(pc) =	sbr.rel @p0 .LBB2_2-.Ltmp0, $4  }
0x23: {  	[tilespmem:s24+$0x2130] =	vst v0  }
0x24: {  	[tilespmem:s24+$0x2140] =	vst v0  }
0x25: {  	[tilespmem:s24+$0x2150] =	vst v0  }
0x26: {  	[tilespmem:s24+$0x2160] =	vst v0;
	s24 =	sshra.s32 s25, $0x2;
	s25 =	sadd.s32 $0x200, s25  }
0x27: {  	[tilespmem:s24+$0x2170] =	vst v0  }
0x28: {  	[tilespmem:s24+$0x2100] =	vst v0  }
0x29: {  	[tilespmem:s24+$0x2110] =	vst v0  }
0x2a: {  	[tilespmem:s24+$0x2120] =	vst v0  }
0x2b: {  	[tilespmem:s24+$0x2130] =	vst v0  }
0x2c: {  	[tilespmem:s24+$0x2140] =	vst v0  }
0x2d: {  	[tilespmem:s24+$0x2150] =	vst v0  }
0x2e: {  	[tilespmem:s24+$0x2160] =	vst v0  }
0x2f: {  	[spmem:s8] =	stream.linear.scatter [tilespmem:s14], [sflag:$0x5], $0x4000, $0x38;
	[tilespmem:$0xA100] =	vst v63  }
0x30: {  	_ =	swait.ge [sflag:s15], $0x4000  }
0x31: {  	[sflag:s15] =	ssyncset.done $0x0  }
0x32: {  	[sflag:s15] =	ssyncadd.s32 $0xFFFFC000  }
0x33: {  	[bflag:$0x0] =	sbarrier.arrive $0xFFFF  }
0x34: {  	_ =	swait.ge [sflag:s16], $0x20  }
0x35: {  	[sflag:s16] =	ssyncset.done $0x0  }
0x36: {  	[sflag:s16] =	ssyncadd.s32 $0xFFFFFFE0  }
0x37: {  	_ =	swait.ge [sflag:s17], $0x1000  }
0x38: {  	[sflag:s17] =	ssyncset.done $0x0  }
0x39: {  	[sflag:s17] =	ssyncadd.s32 $0xFFFFF000  }
0x3a: {  	[spmem:s2] =	stream.indirect.scatter.add.f32 [tilespmem:s3], [sflag:$0x5], $0x80, s11, s18, $0xb8;
	[tilespmem:$0xA100] =	vst v63  }
0x3b: {  	_ =	swait.ge [sflag:s15], $0x1000  }
0x3c: {  	[sflag:s15] =	ssyncset.done $0x0  }
0x3d: {  	[sflag:s15] =	ssyncadd.s32 $0xFFFFF000  }
0x3e: {  	_ =	swait.ge [sflag:s19], $0x20  }
0x3f: {  	[sflag:s19] =	ssyncset.done $0x0  }
0x40: {  	[sflag:s19] =	ssyncadd.s32 $0xFFFFFFE0  }
0x41: {  	v1 =	vld [tilespmem:$0x2080]  }
0x42: {  	v2 =	vld [tilespmem:$0x2090];
	_ =	sdelay $0x3  }
0x43: {  	v1 =	vadd.s32 $0x400, v1  }
0x44: {  	[tilespmem:$0x2080] =	vst v1;
	v1 =	vadd.s32 $0x400, v2  }
0x45: {  	[tilespmem:$0x2090] =	vst v1  }
0x46: {  	_ =	swait.ge [sflag:s20], $0x1000  }
0x47: {  	[sflag:s20] =	ssyncset.done $0x0  }
0x48: {  	[sflag:s20] =	ssyncadd.s32 $0xFFFFF000  }
0x49: {  	[spmem:s2] =	stream.indirect.scatter.add.f32 [tilespmem:s13], [sflag:$0x5], $0x80, s12, s18, $0xb8;
	[tilespmem:$0xA100] =	vst v63  }
0x4a: {  	_ =	swait.ge [sflag:s15], $0x1000  }
0x4b: {  	s23 =	sadd.s32 $0x1, s23;
	[sflag:s15] =	ssyncset.done $0x0  }
0x4c: {  	p0 =	sne.s32 s23, s10;
	[sflag:s15] =	ssyncadd.s32 $0xFFFFF000  }
.Ltmp1:
0x4d: {  	[bflag:$0x0] =	sbarrier.arrive $0xFFFF;
	(pc) =	sbr.rel @p0 .LBB2_1-.Ltmp1, $4  }
0x4e: {  	[hbm:s9], [sflag:s21] =	dma.local [spmem:s22], $0x800  }
0x4f: {  	_ =	swait.ge [sflag:s15], $0x800  }
0x50: {  	[sflag:s15] =	ssyncset.done $0x0  }
0x51: {  	[sflag:s15] =	ssyncadd.s32 $0xFFFFF800  }
0x52: {  	_ =	sfence.sel $0x180000  }
0x53: {  	[bflag:$0x0] =	sbarrier.arrive $0xFFFF  }
0x54: {  	p0 =	sne.s32 s1, $0x0;
	_ =	strace $0x90000047  }
0x55: {  	s0 =	sadd.s32 @!p0 $0x100000, s0;
	[bflag:$0x2] =	sbarrier.arrive $0xFFFF  }
0x56: {  	[sflag:s0] =	ssyncadd.tile.s32 @!p0 $0x1;
	_ =	shalt  }
.Lfunc_end2:
_tile_overlayer_lowered:
.L_overlay_start_2:
0x57: {  	(tag) =	ssettag $0x2  }
0x58: {  	s0 =	rddreg [dreg:$0x0];
	s2 =	stileid.u32  }
0x59: {  	s1 =	rddreg [dreg:$0x1];
	p0 =	sne.s32 s2, $0x0  }
0x5a: {  	s3 =	rddreg [dreg:$0x2];
	[bflag:$0x3] =	sbarrier.arrive $0xFFFF;
	s2 =	simm.s32 @!p0 $0x1C05  }
0x5b: {  	[timem:s3], [sflag:s2] =	dma.local @!p0 [hbm:s0], s1  }
0x5c: {  	s0 =	simm.s32 @!p0 $0x5  }
0x5d: {  	_ =	swait.ge @!p0 [sflag:s0], s1  }
0x5e: {  	s1 =	ssub.s32 @!p0 $0x0, s1;
	[sflag:s0] =	ssyncset.done @!p0 $0x0  }
0x5f: {  	[sflag:s0] =	ssyncadd.s32 @!p0 s1  }
0x60: {  	[bflag:$0x3] =	sbarrier.arrive $0xFFFF  }
0x61: {  	_ =	shalt  }

</sc_bundles>
